<compile_context>
chip_gen: v7x
topology: tpu7x:2x2x1
jax: 0.10.2.dev20260603
libtpu: 0.0.44.dev20260713+nightly
codegen_flags: <defaults>
</compile_context>

<pallas_src>
import jax
import jax.numpy as jnp
from jax import lax
from jax.experimental import pallas as pl
from jax.experimental.pallas import tpu as pltpu
from jax.experimental.pallas import tpu_sc as plsc

N = 10000
K = 16
C = 128
H = 8
HC = C // H
WS = 0.16
QS = 0.04
QGL = int((2 * WS + 1e-4) // QS)
L = 2 * QGL
SCALE = HC ** -0.5
HID = 4 * C

NP = N
PP = NP * K

GD1 = 3 * C
GD2 = 2 * C


ROWS_A = 1000


def _ln(x, s, b):
    mu = jnp.mean(x, axis=-1, keepdims=True)
    xc = x - mu
    var = jnp.mean(xc * xc, axis=-1, keepdims=True)
    return xc / jnp.sqrt(var + 1e-5) * s + b


def _ln_qkv_body(x_ref, c_ref, s_ref, b_ref, w_ref, bias_ref, qs_ref, kvc_ref):
    h = _ln(x_ref[...], s_ref[...], b_ref[...])
    qkv = jnp.dot(h, w_ref[...], preferred_element_type=jnp.float32) + bias_ref[...]
    qs_ref[...] = qkv[:, :C] * SCALE
    kvc_ref[:, : 2 * C] = qkv[:, C:]
    kvc_ref[:, 2 * C :] = c_ref[...]


def _ln_qkv(feats, coords128, ln_s, ln_b, w_qkv, b_qkv):
    grid = (NP // ROWS_A,)
    return pl.pallas_call(
        _ln_qkv_body,
        grid=grid,
        in_specs=[
            pl.BlockSpec((ROWS_A, C), lambda i: (i, 0)),
            pl.BlockSpec((ROWS_A, C), lambda i: (i, 0)),
            pl.BlockSpec((1, C), lambda i: (0, 0)),
            pl.BlockSpec((1, C), lambda i: (0, 0)),
            pl.BlockSpec((C, 3 * C), lambda i: (0, 0)),
            pl.BlockSpec((1, 3 * C), lambda i: (0, 0)),
        ],
        out_specs=[
            pl.BlockSpec((ROWS_A, C), lambda i: (i, 0)),
            pl.BlockSpec((ROWS_A, GD1), lambda i: (i, 0)),
        ],
        out_shape=[
            jax.ShapeDtypeStruct((NP, C), jnp.float32),
            jax.ShapeDtypeStruct((NP, GD1), jnp.float32),
        ],
    )(feats, coords128, ln_s, ln_b, w_qkv, b_qkv)



CHUNK = 128
NC = 2
NS = 16
NW = NC * NS
NCHUNKS = PP // CHUNK
ITERS = (NCHUNKS + NW - 1) // NW


def _gather_pairs(kv, i1t, width):
    mesh = plsc.VectorSubcoreMesh(
        core_axis_name="c", subcore_axis_name="s", num_cores=NC, num_subcores=NS
    )

    def body(kv_hbm, idx_hbm, out_hbm, idx_v, rows_v, sem):
        wid = lax.axis_index("s") * NC + lax.axis_index("c")

        def step(j, carry):
            chunk = j * NW + wid

            @pl.when(chunk < NCHUNKS)
            def _():
                base = chunk * CHUNK
                pltpu.sync_copy(idx_hbm.at[pl.ds(base, CHUNK)], idx_v)
                pltpu.async_copy(kv_hbm.at[idx_v], rows_v, sem).wait()
                pltpu.sync_copy(rows_v, out_hbm.at[pl.ds(base, CHUNK)])

            return carry

        lax.fori_loop(0, ITERS, step, 0)

    f = pl.kernel(
        body,
        out_type=jax.ShapeDtypeStruct((PP, width), jnp.float32),
        mesh=mesh,
        scratch_types=[
            pltpu.VMEM((CHUNK,), jnp.int32),
            pltpu.VMEM((CHUNK, width), jnp.float32),
            pltpu.SemaphoreType.DMA,
        ],
    )
    return f(kv, i1t)



TQ = 200
RP = TQ * K
NT = NP // TQ


def _head_matrices():
    lane = jnp.arange(C, dtype=jnp.int32)[:, None]
    head = jnp.arange(H, dtype=jnp.int32)[None, :]
    eh = (lane // HC == head).astype(jnp.float32)
    return eh, eh.T


def _attn_math(kg, vg, rid3, q, resid, t_ref, eh_ref, r_ref, w_ref, b_ref):
    cols = lax.broadcasted_iota(jnp.int32, (K, TQ, 3 * L), 2)
    oh = (
        (cols == (rid3 & (L - 1)))
        | (cols == ((rid3 >> 4) & (L - 1)) + L)
        | (cols == (rid3 >> 8) + 2 * L)
    ).astype(jnp.float32)
    G = jnp.dot(
        oh.reshape(RP, 3 * L), t_ref[...], preferred_element_type=jnp.float32
    ).reshape(K, TQ, 3 * C)

    qg = q[None]
    s = qg * (kg + G[:, :, :C]) + kg * G[:, :, C : 2 * C]
    attn = jnp.dot(
        s.reshape(RP, C), eh_ref[...], preferred_element_type=jnp.float32
    ).reshape(K, TQ, H)

    m = jnp.max(attn, axis=0, keepdims=True)
    e = jnp.exp(attn - m)
    den = jnp.sum(e, axis=0, keepdims=True)
    p = e / den

    pb = jnp.dot(
        p.reshape(RP, H), r_ref[...], preferred_element_type=jnp.float32
    ).reshape(K, TQ, C)
    vt = vg + G[:, :, 2 * C :]
    o = jnp.sum(pb * vt, axis=0)

    x = jnp.dot(o, w_ref[...], preferred_element_type=jnp.float32)
    return x + b_ref[...] + resid


def _mlp_out(x, s_ref, b_ref, w1_ref, b1_ref, w2_ref, b2_ref):
    h = _ln(x, s_ref[...], b_ref[...])
    f = jax.nn.gelu(jnp.dot(h, w1_ref[...], preferred_element_type=jnp.float32) + b1_ref[...])
    return x + jnp.dot(f, w2_ref[...], preferred_element_type=jnp.float32) + b2_ref[...]


_COMMON_SPECS = [
    pl.BlockSpec((TQ, C), lambda i: (i, 0)),
    pl.BlockSpec((3 * L, 3 * C), lambda i: (0, 0)),
    pl.BlockSpec((C, H), lambda i: (0, 0)),
    pl.BlockSpec((H, C), lambda i: (0, 0)),
    pl.BlockSpec((C, C), lambda i: (0, 0)),
    pl.BlockSpec((1, C), lambda i: (0, 0)),
]
_MLP_SPECS = [
    pl.BlockSpec((1, C), lambda i: (0, 0)),
    pl.BlockSpec((1, C), lambda i: (0, 0)),
    pl.BlockSpec((C, HID), lambda i: (0, 0)),
    pl.BlockSpec((1, HID), lambda i: (0, 0)),
    pl.BlockSpec((HID, C), lambda i: (0, 0)),
    pl.BlockSpec((1, C), lambda i: (0, 0)),
]
_QKV_SPECS = [
    pl.BlockSpec((1, C), lambda i: (0, 0)),
    pl.BlockSpec((1, C), lambda i: (0, 0)),
    pl.BlockSpec((C, 3 * C), lambda i: (0, 0)),
    pl.BlockSpec((1, 3 * C), lambda i: (0, 0)),
]


def _rid_from_coords(g, cq):
    cg = g[:, :, 2 * C : 2 * C + 3]
    rel = cq[None, :, :3] - cg
    rel = jnp.round(rel * 100000.0) / 100000.0
    rpi = jnp.floor((rel + 2 * WS - 1e-4) / QS).astype(jnp.int32)
    rpi = jnp.clip(rpi, 0, L - 1)
    return rpi[:, :, 0:1] + rpi[:, :, 1:2] * L + rpi[:, :, 2:3] * (L * L)


def _attn1_body(g_ref, q_ref, c_ref, res_ref, t_ref, eh_ref, r_ref,
                w_ref, b_ref, o_ref, rid_ref):
    g = g_ref[...]
    rid3 = _rid_from_coords(g, c_ref[...])
    rid_ref[...] = rid3.reshape(1, K, TQ)
    o_ref[...] = _attn_math(
        g[:, :, :C], g[:, :, C : 2 * C], rid3, q_ref[...], res_ref[...],
        t_ref, eh_ref, r_ref, w_ref, b_ref,
    )


def _attn2_body(g_ref, q_ref, rid_ref, res_ref, t_ref, eh_ref, r_ref,
                w_ref, b_ref, o_ref):
    g = g_ref[...]
    rid3 = rid_ref[...].reshape(K, TQ, 1)
    o_ref[...] = _attn_math(
        g[:, :, :C], g[:, :, C : 2 * C], rid3, q_ref[...], res_ref[...],
        t_ref, eh_ref, r_ref, w_ref, b_ref,
    )


def _attention1(g3, qs, coords16, resid, t_stack, eh, r, w_proj, b_proj):
    return pl.pallas_call(
        _attn1_body,
        grid=(NT,),
        in_specs=[
            pl.BlockSpec((K, TQ, GD1), lambda i: (0, i, 0)),
            pl.BlockSpec((TQ, C), lambda i: (i, 0)),
            pl.BlockSpec((TQ, 16), lambda i: (i, 0)),
        ] + _COMMON_SPECS,
        out_specs=[
            pl.BlockSpec((TQ, C), lambda i: (i, 0)),
            pl.BlockSpec((1, K, TQ), lambda i: (i, 0, 0)),
        ],
        out_shape=[
            jax.ShapeDtypeStruct((NP, C), jnp.float32),
            jax.ShapeDtypeStruct((NT, K, TQ), jnp.int32),
        ],
    )(g3, qs, coords16, resid, t_stack, eh, r, w_proj, b_proj)


def _attention2(g3, qs, rid3d, resid, t_stack, eh, r, w_proj, b_proj):
    return pl.pallas_call(
        _attn2_body,
        grid=(NT,),
        in_specs=[
            pl.BlockSpec((K, TQ, GD2), lambda i: (0, i, 0)),
            pl.BlockSpec((TQ, C), lambda i: (i, 0)),
            pl.BlockSpec((1, K, TQ), lambda i: (i, 0, 0)),
        ] + _COMMON_SPECS,
        out_specs=pl.BlockSpec((TQ, C), lambda i: (i, 0)),
        out_shape=jax.ShapeDtypeStruct((NP, C), jnp.float32),
    )(g3, qs, rid3d, resid, t_stack, eh, r, w_proj, b_proj)


ROWS_D = 1000


def _mlp_body(x_ref, s_ref, b_ref, w1_ref, b1_ref, w2_ref, b2_ref, o_ref):
    o_ref[...] = _mlp_out(x_ref[...], s_ref, b_ref, w1_ref, b1_ref, w2_ref, b2_ref)


def _mlp_qkv_body(x_ref, s_ref, b_ref, w1_ref, b1_ref, w2_ref, b2_ref,
                  s2_ref, bb2_ref, wq_ref, bq_ref, o_ref, qs_ref, kv_ref):
    y = _mlp_out(x_ref[...], s_ref, b_ref, w1_ref, b1_ref, w2_ref, b2_ref)
    o_ref[...] = y
    h = _ln(y, s2_ref[...], bb2_ref[...])
    qkv = jnp.dot(h, wq_ref[...], preferred_element_type=jnp.float32) + bq_ref[...]
    qs_ref[...] = qkv[:, :C] * SCALE
    kv_ref[...] = qkv[:, C:]


def _mlp(x, ln_s, ln_b, w1, b1, w2, b2):
    return pl.pallas_call(
        _mlp_body,
        grid=(NP // ROWS_D,),
        in_specs=[pl.BlockSpec((ROWS_D, C), lambda i: (i, 0))] + _MLP_SPECS,
        out_specs=pl.BlockSpec((ROWS_D, C), lambda i: (i, 0)),
        out_shape=jax.ShapeDtypeStruct((NP, C), jnp.float32),
    )(x, ln_s, ln_b, w1, b1, w2, b2)


def _mlp_qkv(x, ln_s, ln_b, w1, b1, w2, b2, ln2_s, ln2_b, w_qkv, b_qkv):
    return pl.pallas_call(
        _mlp_qkv_body,
        grid=(NP // ROWS_D,),
        in_specs=[pl.BlockSpec((ROWS_D, C), lambda i: (i, 0))]
        + _MLP_SPECS + _QKV_SPECS,
        out_specs=[
            pl.BlockSpec((ROWS_D, C), lambda i: (i, 0)),
            pl.BlockSpec((ROWS_D, C), lambda i: (i, 0)),
            pl.BlockSpec((ROWS_D, GD2), lambda i: (i, 0)),
        ],
        out_shape=[
            jax.ShapeDtypeStruct((NP, C), jnp.float32),
            jax.ShapeDtypeStruct((NP, C), jnp.float32),
            jax.ShapeDtypeStruct((NP, GD2), jnp.float32),
        ],
    )(x, ln_s, ln_b, w1, b1, w2, b2, ln2_s, ln2_b, w_qkv, b_qkv)




def _stack_tables(p):
    parts = []
    for name in ("tab_q", "tab_k", "tab_v"):
        t = p[name]
        parts.append(jnp.concatenate([t[:, :, :, d].reshape(L, C) for d in range(3)], axis=0))
    return jnp.concatenate(parts, axis=1)


def kernel(feats, coords, params, index_0, index_1, index_0_offsets, n_max):
    p1, p2 = params["blocks"]
    t1 = _stack_tables(p1)
    t2 = _stack_tables(p2)
    eh, r = _head_matrices()
    coords16 = jnp.pad(coords, ((0, 0), (0, 13)))
    coords128 = jnp.pad(coords, ((0, 0), (0, C - 3)))
    i1t = index_1.reshape(N, K).T.reshape(PP)

    qs, kvc = _ln_qkv(
        feats, coords128,
        p1["ln1_s"].reshape(1, C), p1["ln1_b"].reshape(1, C),
        p1["w_qkv"], p1["b_qkv"].reshape(1, 3 * C),
    )
    g1 = _gather_pairs(kvc, i1t, GD1).reshape(K, NP, GD1)
    x, rid = _attention1(
        g1, qs, coords16, feats, t1, eh, r,
        p1["w_proj"], p1["b_proj"].reshape(1, C),
    )
    x, qs2, kv2 = _mlp_qkv(
        x,
        p1["ln2_s"].reshape(1, C), p1["ln2_b"].reshape(1, C),
        p1["w_fc1"], p1["b_fc1"].reshape(1, HID),
        p1["w_fc2"], p1["b_fc2"].reshape(1, C),
        p2["ln1_s"].reshape(1, C), p2["ln1_b"].reshape(1, C),
        p2["w_qkv"], p2["b_qkv"].reshape(1, 3 * C),
    )
    g2 = _gather_pairs(kv2, i1t, GD2).reshape(K, NP, GD2)
    x = _attention2(
        g2, qs2, rid, x, t2, eh, r,
        p2["w_proj"], p2["b_proj"].reshape(1, C),
    )
    x = _mlp(
        x,
        p2["ln2_s"].reshape(1, C), p2["ln2_b"].reshape(1, C),
        p2["w_fc1"], p2["b_fc1"].reshape(1, HID),
        p2["w_fc2"], p2["b_fc2"].reshape(1, C),
    )
    return x

# --- scband reference (transcript-rebuilt; emitter-appended) ---
"""Pipeline reference for scband-basic-layer-27023934226488 (READ-ONLY COPY).

The authoritative reference and input builder live on the scoring server;
editing this copy changes nothing except your own understanding.
"""

import jax, jax.numpy as jnp
import numpy as np

N = 10000
K = 16
C = 128
H = 8
HC = C // H
WS = 0.16
QS = 0.04
QGL = int((2 * WS + 1e-4) // QS)
L = 2 * QGL
DEPTH = 2
HID = int(C * 4.0)
SCALE = HC ** -0.5


def _init_block(key):
    ks = jax.random.split(key, 7)
    return {
        'ln1_s': jnp.ones((C,), jnp.float32), 'ln1_b': jnp.zeros((C,), jnp.float32),
        'w_qkv': 0.02 * jax.random.normal(ks[0], (C, 3 * C), jnp.float32),
        'b_qkv': jnp.zeros((3 * C,), jnp.float32),
        'tab_q': 0.02 * jax.random.normal(ks[1], (L, H, HC, 3), jnp.float32),
        'tab_k': 0.02 * jax.random.normal(ks[2], (L, H, HC, 3), jnp.float32),
        'tab_v': 0.02 * jax.random.normal(ks[3], (L, H, HC, 3), jnp.float32),
        'w_proj': 0.02 * jax.random.normal(ks[4], (C, C), jnp.float32),
        'b_proj': jnp.zeros((C,), jnp.float32),
        'ln2_s': jnp.ones((C,), jnp.float32), 'ln2_b': jnp.zeros((C,), jnp.float32),
        'w_fc1': 0.02 * jax.random.normal(ks[5], (C, HID), jnp.float32),
        'b_fc1': jnp.zeros((HID,), jnp.float32),
        'w_fc2': 0.02 * jax.random.normal(ks[6], (HID, C), jnp.float32),
        'b_fc2': jnp.zeros((C,), jnp.float32),
    }


def setup_inputs(seed: int = 0):
    key = jax.random.key(seed)
    k1, k2, k3 = jax.random.split(key, 3)
    feats = jax.random.normal(k1, (N, C), dtype=jnp.float32)
    coords = jax.random.uniform(k2, (N, 3), dtype=jnp.float32) * WS
    index_0 = jnp.repeat(jnp.arange(N, dtype=jnp.int32), K)
    index_1 = jax.random.randint(k3, (N * K,), 0, N, dtype=jnp.int32)
    index_0_offsets = jnp.arange(N + 1, dtype=jnp.int32) * K
    params = {'blocks': [_init_block(jax.random.fold_in(key, i)) for i in range(DEPTH)]}
    return {'feats': feats, 'coords': coords, 'params': params, 'index_0': index_0,
            'index_1': index_1, 'index_0_offsets': index_0_offsets, 'n_max': K}


def _layernorm(x, s, b):
    mu = x.mean(-1, keepdims=True)
    var = ((x - mu) ** 2).mean(-1, keepdims=True)
    return (x - mu) / jnp.sqrt(var + 1e-5) * s + b


def _window_attention(feats, coords, p, i0, i1):
    n = feats.shape[0]
    qkv = (feats @ p['w_qkv'] + p['b_qkv']).reshape(n, 3, H, HC)
    q = qkv[:, 0] * SCALE
    k = qkv[:, 1]
    v = qkv[:, 2]
    q_g = q[i0]
    k_g = k[i1]
    # pointops.attention_step1_v2: per-pair per-head dot products
    attn = jnp.sum(q_g * k_g, axis=-1)
    rel = coords[i0] - coords[i1]
    rel = jnp.round(rel * 100000.0) / 100000.0
    rpi = jnp.floor((rel + 2 * WS - 1e-4) / QS).astype(jnp.int32)
    rpi = jnp.clip(rpi, 0, L - 1)
    # pointops.dot_prod_with_idx_v3: contextual relative position bias
    bias = jnp.zeros_like(attn)
    v_rel = jnp.zeros_like(k_g)
    for d in range(3):
        tq = p['tab_q'][rpi[:, d], :, :, d]
        tk = p['tab_k'][rpi[:, d], :, :, d]
        tv = p['tab_v'][rpi[:, d], :, :, d]
        bias = bias + jnp.sum(q_g * tq, axis=-1) + jnp.sum(k_g * tk, axis=-1)
        v_rel = v_rel + tv
    attn = attn + bias
    # scatter_softmax over index_0 groups
    amax = jax.ops.segment_max(attn, i0, num_segments=n)
    attn = jnp.exp(attn - amax[i0])
    denom = jax.ops.segment_sum(attn, i0, num_segments=n)
    attn = attn / denom[i0]
    # pointops.attention_step2_with_rel_pos_value_v2
    v_g = v[i1] + v_rel
    x = jax.ops.segment_sum(attn[:, :, None] * v_g, i0, num_segments=n)
    x = x.reshape(n, C) @ p['w_proj'] + p['b_proj']
    return x


def _block(feats, coords, p, i0, i1):
    short = feats
    h1 = _layernorm(feats, p['ln1_s'], p['ln1_b'])
    h1 = _window_attention(h1, coords, p, i0, i1)
    feats = short + h1
    h2 = _layernorm(feats, p['ln2_s'], p['ln2_b'])
    h2 = jax.nn.gelu(h2 @ p['w_fc1'] + p['b_fc1']) @ p['w_fc2'] + p['b_fc2']
    return feats + h2


def _forward(feats, coords, params, i0, i1):
    x = feats
    for p in params['blocks']:
        x = _block(x, coords, p, i0, i1)
    return x


def reference(feats, coords, params, index_0, index_1, index_0_offsets, n_max):
    return _forward(feats, coords, params, index_0, index_1)

if __name__ == "__main__":
    import jax
    _d = setup_inputs()
    print(jax.jit(kernel)(*tuple(_d.values())))

</pallas_src>

<mosaic_0001>
#map = affine_map<(d0, d1) -> (0, 0)>
#map1 = affine_map<(d0, d1) -> (0)>
module attributes {stable_mosaic.version = 14 : i64} {
  func.func @body(%arg0: i32, %arg1: i32, %arg2: memref<10000x256xf32, #tpu.memory_space<hbm>>, %arg3: memref<160000xi32, #tpu.memory_space<hbm>>, %arg4: memref<160000x256xf32, #tpu.memory_space<hbm>>, %arg5: memref<128xi32, #tpu.memory_space<vmem>>, %arg6: memref<128x256xf32, #tpu.memory_space<vmem>>, %arg7: memref<!tpu.dma_semaphore, #tpu.memory_space<semaphore_mem>>) attributes {dimension_semantics = [#tpu.dimension_semantics<core_parallel>, #tpu.dimension_semantics<subcore_parallel>], iteration_bounds = array<i64: 2, 16>, scalar_prefetch = 0 : i64, scratch_operands = 3 : i64, tpu.core_type = #tpu.core_type<sc_vector_subcore>, window_params = [{transform_indices = #map}, {transform_indices = #map1}, {transform_indices = #map}]} {
    %mul3A = arith.constant 2 : i32
    %mul3A_0 = arith.muli %arg1, %mul3A : i32
    %add3A = arith.addi %mul3A_0, %arg0 : i32
    %scan3A = arith.constant 0 : i32
    %scan3A_1 = arith.constant 0 : i32
    %scan3A_2 = arith.constant 40 : i32
    %scan3A_3 = arith.addi %scan3A_1, %scan3A_2 : i32
    %scan3A_4 = arith.constant 1 : i32
    scf.for %scan3A_6 = %scan3A_1 to %scan3A_3 step %scan3A_4  : i32 {
      %mul3A_7 = arith.constant 32 : i32
      %mul3A_8 = arith.muli %scan3A_6, %mul3A_7 : i32
      %add3A_9 = arith.addi %mul3A_8, %add3A : i32
      %lt3A = arith.constant 1250 : i32
      %lt3A_10 = arith.cmpi slt, %add3A_9, %lt3A : i32
      %convert_element_type3A = arith.extui %lt3A_10 : i1 to i32
      %cond3A = arith.constant 0 : i32
      %cond3A_11 = arith.cmpi ne, %convert_element_type3A, %cond3A : i32
      scf.if %cond3A_11 {
        %mul3A_12 = arith.constant 128 : i32
        %mul3A_13 = arith.muli %add3A_9, %mul3A_12 : i32
        "tpu.region"() ({
          %run_scoped3A = tpu.sem_alloc : memref<!tpu.dma_semaphore, #tpu.memory_space<semaphore_mem>>
          %dma_start3A_18 = tpu.memref_slice %arg3[%mul3A_13] : memref<160000xi32, #tpu.memory_space<hbm>> -> memref<128xi32, #tpu.memory_space<hbm>>
          %dma_start3A_19 = tpu.memref_slice %arg3[%mul3A_13] : memref<160000xi32, #tpu.memory_space<hbm>> -> memref<128xi32, #tpu.memory_space<hbm>>
          tpu.enqueue_dma source(%dma_start3A_19 : memref<128xi32, #tpu.memory_space<hbm>>) target(%arg5 : memref<128xi32, #tpu.memory_space<vmem>>) target_semaphore(%run_scoped3A : memref<!tpu.dma_semaphore, #tpu.memory_space<semaphore_mem>>)
          %dma_wait3A_20 = tpu.memref_slice %arg3[%mul3A_13] : memref<160000xi32, #tpu.memory_space<hbm>> -> memref<128xi32, #tpu.memory_space<hbm>>
          %dma_wait3A_21 = tpu.memref_slice %arg3[%mul3A_13] : memref<160000xi32, #tpu.memory_space<hbm>> -> memref<128xi32, #tpu.memory_space<hbm>>
          tpu.wait_dma2 semaphore(%run_scoped3A : memref<!tpu.dma_semaphore, #tpu.memory_space<semaphore_mem>>) src(%dma_wait3A_21 : memref<128xi32, #tpu.memory_space<hbm>>) dst(%arg5 : memref<128xi32, #tpu.memory_space<vmem>>)
          tpu.yield
        }) : () -> ()
        %dma_start3A = arith.constant 0 : i32
        %dma_start3A_14 = arith.constant 0 : i32
        %dma_start3A_15 = tpu.memref_slice %arg2[%dma_start3A, %dma_start3A_14] : memref<10000x256xf32, #tpu.memory_space<hbm>> -> memref<10000x256xf32, #tpu.memory_space<hbm>>
        tpu.enqueue_indirect_dma source(%dma_start3A_15 : memref<10000x256xf32, #tpu.memory_space<hbm>>) target(%arg6 : memref<128x256xf32, #tpu.memory_space<vmem>>) offsets(%arg5 : memref<128xi32, #tpu.memory_space<vmem>>) semaphore(%arg7 : memref<!tpu.dma_semaphore, #tpu.memory_space<semaphore_mem>>)
        %dma_wait3A = arith.constant 0 : i32
        %dma_wait3A_16 = arith.constant 0 : i32
        %dma_wait3A_17 = tpu.memref_slice %arg2[%dma_wait3A, %dma_wait3A_16] : memref<10000x256xf32, #tpu.memory_space<hbm>> -> memref<10000x256xf32, #tpu.memory_space<hbm>>
        tpu.wait_indirect_dma semaphore(%arg7 : memref<!tpu.dma_semaphore, #tpu.memory_space<semaphore_mem>>) src(%dma_wait3A_17 : memref<10000x256xf32, #tpu.memory_space<hbm>>) dst(%arg6 : memref<128x256xf32, #tpu.memory_space<vmem>>)
        "tpu.region"() ({
          %run_scoped3A = tpu.sem_alloc : memref<!tpu.dma_semaphore, #tpu.memory_space<semaphore_mem>>
          %dma_start3A_18 = arith.constant 0 : i32
          %dma_start3A_19 = tpu.memref_slice %arg4[%mul3A_13, %dma_start3A_18] : memref<160000x256xf32, #tpu.memory_space<hbm>> -> memref<128x256xf32, #tpu.memory_space<hbm>>
          %dma_start3A_20 = arith.constant 0 : i32
          %dma_start3A_21 = tpu.memref_slice %arg4[%mul3A_13, %dma_start3A_20] : memref<160000x256xf32, #tpu.memory_space<hbm>> -> memref<128x256xf32, #tpu.memory_space<hbm>>
          tpu.enqueue_dma source(%arg6 : memref<128x256xf32, #tpu.memory_space<vmem>>) target(%dma_start3A_21 : memref<128x256xf32, #tpu.memory_space<hbm>>) target_semaphore(%run_scoped3A : memref<!tpu.dma_semaphore, #tpu.memory_space<semaphore_mem>>)
          %dma_wait3A_22 = arith.constant 0 : i32
          %dma_wait3A_23 = tpu.memref_slice %arg4[%mul3A_13, %dma_wait3A_22] : memref<160000x256xf32, #tpu.memory_space<hbm>> -> memref<128x256xf32, #tpu.memory_space<hbm>>
          %dma_wait3A_24 = arith.constant 0 : i32
          %dma_wait3A_25 = tpu.memref_slice %arg4[%mul3A_13, %dma_wait3A_24] : memref<160000x256xf32, #tpu.memory_space<hbm>> -> memref<128x256xf32, #tpu.memory_space<hbm>>
          tpu.wait_dma2 semaphore(%run_scoped3A : memref<!tpu.dma_semaphore, #tpu.memory_space<semaphore_mem>>) src(%arg6 : memref<128x256xf32, #tpu.memory_space<vmem>>) dst(%dma_wait3A_25 : memref<128x256xf32, #tpu.memory_space<hbm>>)
          tpu.yield
        }) : () -> ()
      } else {
      }
    }
    %scan3A_5 = arith.constant 40 : i32
    return
  }
}

#map = affine_map<(d0, d1) -> (0, 0)>
#map1 = affine_map<(d0, d1) -> (0)>
module attributes {stable_mosaic.version = 14 : i64} {
  func.func @body(%arg0: i32, %arg1: i32, %arg2: memref<10000x384xf32, #tpu.memory_space<hbm>>, %arg3: memref<160000xi32, #tpu.memory_space<hbm>>, %arg4: memref<160000x384xf32, #tpu.memory_space<hbm>>, %arg5: memref<128xi32, #tpu.memory_space<vmem>>, %arg6: memref<128x384xf32, #tpu.memory_space<vmem>>, %arg7: memref<!tpu.dma_semaphore, #tpu.memory_space<semaphore_mem>>) attributes {dimension_semantics = [#tpu.dimension_semantics<core_parallel>, #tpu.dimension_semantics<subcore_parallel>], iteration_bounds = array<i64: 2, 16>, scalar_prefetch = 0 : i64, scratch_operands = 3 : i64, tpu.core_type = #tpu.core_type<sc_vector_subcore>, window_params = [{transform_indices = #map}, {transform_indices = #map1}, {transform_indices = #map}]} {
    %mul3A = arith.constant 2 : i32
    %mul3A_0 = arith.muli %arg1, %mul3A : i32
    %add3A = arith.addi %mul3A_0, %arg0 : i32
    %scan3A = arith.constant 0 : i32
    %scan3A_1 = arith.constant 0 : i32
    %scan3A_2 = arith.constant 40 : i32
    %scan3A_3 = arith.addi %scan3A_1, %scan3A_2 : i32
    %scan3A_4 = arith.constant 1 : i32
    scf.for %scan3A_6 = %scan3A_1 to %scan3A_3 step %scan3A_4  : i32 {
      %mul3A_7 = arith.constant 32 : i32
      %mul3A_8 = arith.muli %scan3A_6, %mul3A_7 : i32
      %add3A_9 = arith.addi %mul3A_8, %add3A : i32
      %lt3A = arith.constant 1250 : i32
      %lt3A_10 = arith.cmpi slt, %add3A_9, %lt3A : i32
      %convert_element_type3A = arith.extui %lt3A_10 : i1 to i32
      %cond3A = arith.constant 0 : i32
      %cond3A_11 = arith.cmpi ne, %convert_element_type3A, %cond3A : i32
      scf.if %cond3A_11 {
        %mul3A_12 = arith.constant 128 : i32
        %mul3A_13 = arith.muli %add3A_9, %mul3A_12 : i32
        "tpu.region"() ({
          %run_scoped3A = tpu.sem_alloc : memref<!tpu.dma_semaphore, #tpu.memory_space<semaphore_mem>>
          %dma_start3A_18 = tpu.memref_slice %arg3[%mul3A_13] : memref<160000xi32, #tpu.memory_space<hbm>> -> memref<128xi32, #tpu.memory_space<hbm>>
          %dma_start3A_19 = tpu.memref_slice %arg3[%mul3A_13] : memref<160000xi32, #tpu.memory_space<hbm>> -> memref<128xi32, #tpu.memory_space<hbm>>
          tpu.enqueue_dma source(%dma_start3A_19 : memref<128xi32, #tpu.memory_space<hbm>>) target(%arg5 : memref<128xi32, #tpu.memory_space<vmem>>) target_semaphore(%run_scoped3A : memref<!tpu.dma_semaphore, #tpu.memory_space<semaphore_mem>>)
          %dma_wait3A_20 = tpu.memref_slice %arg3[%mul3A_13] : memref<160000xi32, #tpu.memory_space<hbm>> -> memref<128xi32, #tpu.memory_space<hbm>>
          %dma_wait3A_21 = tpu.memref_slice %arg3[%mul3A_13] : memref<160000xi32, #tpu.memory_space<hbm>> -> memref<128xi32, #tpu.memory_space<hbm>>
          tpu.wait_dma2 semaphore(%run_scoped3A : memref<!tpu.dma_semaphore, #tpu.memory_space<semaphore_mem>>) src(%dma_wait3A_21 : memref<128xi32, #tpu.memory_space<hbm>>) dst(%arg5 : memref<128xi32, #tpu.memory_space<vmem>>)
          tpu.yield
        }) : () -> ()
        %dma_start3A = arith.constant 0 : i32
        %dma_start3A_14 = arith.constant 0 : i32
        %dma_start3A_15 = tpu.memref_slice %arg2[%dma_start3A, %dma_start3A_14] : memref<10000x384xf32, #tpu.memory_space<hbm>> -> memref<10000x384xf32, #tpu.memory_space<hbm>>
        tpu.enqueue_indirect_dma source(%dma_start3A_15 : memref<10000x384xf32, #tpu.memory_space<hbm>>) target(%arg6 : memref<128x384xf32, #tpu.memory_space<vmem>>) offsets(%arg5 : memref<128xi32, #tpu.memory_space<vmem>>) semaphore(%arg7 : memref<!tpu.dma_semaphore, #tpu.memory_space<semaphore_mem>>)
        %dma_wait3A = arith.constant 0 : i32
        %dma_wait3A_16 = arith.constant 0 : i32
        %dma_wait3A_17 = tpu.memref_slice %arg2[%dma_wait3A, %dma_wait3A_16] : memref<10000x384xf32, #tpu.memory_space<hbm>> -> memref<10000x384xf32, #tpu.memory_space<hbm>>
        tpu.wait_indirect_dma semaphore(%arg7 : memref<!tpu.dma_semaphore, #tpu.memory_space<semaphore_mem>>) src(%dma_wait3A_17 : memref<10000x384xf32, #tpu.memory_space<hbm>>) dst(%arg6 : memref<128x384xf32, #tpu.memory_space<vmem>>)
        "tpu.region"() ({
          %run_scoped3A = tpu.sem_alloc : memref<!tpu.dma_semaphore, #tpu.memory_space<semaphore_mem>>
          %dma_start3A_18 = arith.constant 0 : i32
          %dma_start3A_19 = tpu.memref_slice %arg4[%mul3A_13, %dma_start3A_18] : memref<160000x384xf32, #tpu.memory_space<hbm>> -> memref<128x384xf32, #tpu.memory_space<hbm>>
          %dma_start3A_20 = arith.constant 0 : i32
          %dma_start3A_21 = tpu.memref_slice %arg4[%mul3A_13, %dma_start3A_20] : memref<160000x384xf32, #tpu.memory_space<hbm>> -> memref<128x384xf32, #tpu.memory_space<hbm>>
          tpu.enqueue_dma source(%arg6 : memref<128x384xf32, #tpu.memory_space<vmem>>) target(%dma_start3A_21 : memref<128x384xf32, #tpu.memory_space<hbm>>) target_semaphore(%run_scoped3A : memref<!tpu.dma_semaphore, #tpu.memory_space<semaphore_mem>>)
          %dma_wait3A_22 = arith.constant 0 : i32
          %dma_wait3A_23 = tpu.memref_slice %arg4[%mul3A_13, %dma_wait3A_22] : memref<160000x384xf32, #tpu.memory_space<hbm>> -> memref<128x384xf32, #tpu.memory_space<hbm>>
          %dma_wait3A_24 = arith.constant 0 : i32
          %dma_wait3A_25 = tpu.memref_slice %arg4[%mul3A_13, %dma_wait3A_24] : memref<160000x384xf32, #tpu.memory_space<hbm>> -> memref<128x384xf32, #tpu.memory_space<hbm>>
          tpu.wait_dma2 semaphore(%run_scoped3A : memref<!tpu.dma_semaphore, #tpu.memory_space<semaphore_mem>>) src(%arg6 : memref<128x384xf32, #tpu.memory_space<vmem>>) dst(%dma_wait3A_25 : memref<128x384xf32, #tpu.memory_space<hbm>>)
          tpu.yield
        }) : () -> ()
      } else {
      }
    }
    %scan3A_5 = arith.constant 40 : i32
    return
  }
}

module attributes {stable_mosaic.version = 14 : i64} {
  func.func @_ln_qkv_body(%arg0: i32, %arg1: memref<1000x128xf32, #tpu.memory_space<vmem>>, %arg2: memref<1000x128xf32, #tpu.memory_space<vmem>>, %arg3: memref<1x128xf32, #tpu.memory_space<vmem>>, %arg4: memref<1x128xf32, #tpu.memory_space<vmem>>, %arg5: memref<128x384xf32, #tpu.memory_space<vmem>>, %arg6: memref<1x384xf32, #tpu.memory_space<vmem>>, %arg7: memref<1000x128xf32, #tpu.memory_space<vmem>>, %arg8: memref<1000x384xf32, #tpu.memory_space<vmem>>) attributes {dimension_semantics = [#tpu.dimension_semantics<arbitrary>], iteration_bounds = array<i64: 10>, scalar_prefetch = 0 : i64, scratch_operands = 0 : i64, tpu.core_type = #tpu.core_type<tc>, window_params = [{transform_indices = @transform_0, window_bounds = array<i64: 1000, 128>}, {transform_indices = @transform_1, window_bounds = array<i64: 1000, 128>}, {pipeline_mode = #tpu.pipeline_mode<synchronous>, transform_indices = @transform_2, window_bounds = array<i64: 1, 128>}, {pipeline_mode = #tpu.pipeline_mode<synchronous>, transform_indices = @transform_3, window_bounds = array<i64: 1, 128>}, {pipeline_mode = #tpu.pipeline_mode<synchronous>, transform_indices = @transform_4, window_bounds = array<i64: 128, 384>}, {pipeline_mode = #tpu.pipeline_mode<synchronous>, transform_indices = @transform_5, window_bounds = array<i64: 1, 384>}, {transform_indices = @transform_6, window_bounds = array<i64: 1000, 128>}, {transform_indices = @transform_7, window_bounds = array<i64: 1000, 384>}]} {
    %get3A = arith.constant 0 : index
    %get3A_0 = arith.constant 0 : index
    %get3A_1 = vector.load %arg1[%get3A, %get3A_0] : memref<1000x128xf32, #tpu.memory_space<vmem>>, vector<1000x128xf32>
    %get3A_2 = arith.constant 0 : index
    %get3A_3 = arith.constant 0 : index
    %get3A_4 = vector.load %arg3[%get3A_2, %get3A_3] : memref<1x128xf32, #tpu.memory_space<vmem>>, vector<1x128xf32>
    %get3A_5 = arith.constant 0 : index
    %get3A_6 = arith.constant 0 : index
    %get3A_7 = vector.load %arg4[%get3A_5, %get3A_6] : memref<1x128xf32, #tpu.memory_space<vmem>>, vector<1x128xf32>
    %reduce_sum3A = arith.constant dense<0.000000e+00> : vector<1000xf32>
    %reduce_sum3A_8 = vector.multi_reduction <add>, %get3A_1, %reduce_sum3A [1] : vector<1000x128xf32> to vector<1000xf32>
    %broadcast_in_dim3A = vector.shape_cast %reduce_sum3A_8 : vector<1000xf32> to vector<1000x1xf32>
    %div3A = arith.constant 1.280000e+02 : f32
    %div3A_9 = vector.broadcast %div3A : f32 to vector<1000x1xf32>
    %div3A_10 = arith.divf %broadcast_in_dim3A, %div3A_9 : vector<1000x1xf32>
    %sub3A = vector.broadcast %div3A_10 : vector<1000x1xf32> to vector<1000x128xf32>
    %sub3A_11 = arith.subf %get3A_1, %sub3A : vector<1000x128xf32>
    %mul3A = arith.mulf %sub3A_11, %sub3A_11 : vector<1000x128xf32>
    %reduce_sum3A_12 = arith.constant dense<0.000000e+00> : vector<1000xf32>
    %reduce_sum3A_13 = vector.multi_reduction <add>, %mul3A, %reduce_sum3A_12 [1] : vector<1000x128xf32> to vector<1000xf32>
    %broadcast_in_dim3A_14 = vector.shape_cast %reduce_sum3A_13 : vector<1000xf32> to vector<1000x1xf32>
    %div3A_15 = arith.constant 1.280000e+02 : f32
    %div3A_16 = vector.broadcast %div3A_15 : f32 to vector<1000x1xf32>
    %div3A_17 = arith.divf %broadcast_in_dim3A_14, %div3A_16 : vector<1000x1xf32>
    %add3A = arith.constant 9.99999974E-6 : f32
    %add3A_18 = vector.broadcast %add3A : f32 to vector<1000x1xf32>
    %add3A_19 = arith.addf %div3A_17, %add3A_18 : vector<1000x1xf32>
    %sqrt3A = math.sqrt %add3A_19 : vector<1000x1xf32>
    %div3A_20 = vector.broadcast %sqrt3A : vector<1000x1xf32> to vector<1000x128xf32>
    %div3A_21 = arith.divf %sub3A_11, %div3A_20 : vector<1000x128xf32>
    %mul3A_22 = vector.broadcast %get3A_4 : vector<1x128xf32> to vector<1000x128xf32>
    %mul3A_23 = arith.mulf %div3A_21, %mul3A_22 : vector<1000x128xf32>
    %add3A_24 = vector.broadcast %get3A_7 : vector<1x128xf32> to vector<1000x128xf32>
    %add3A_25 = arith.addf %mul3A_23, %add3A_24 : vector<1000x128xf32>
    %get3A_26 = arith.constant 0 : index
    %get3A_27 = arith.constant 0 : index
    %get3A_28 = vector.load %arg5[%get3A_26, %get3A_27] : memref<128x384xf32, #tpu.memory_space<vmem>>, vector<128x384xf32>
    %dot_general3A = arith.constant dense<0.000000e+00> : vector<1000x384xf32>
    %dot_general3A_29 = tpu.matmul %add3A_25, %get3A_28, %dot_general3A {dimension_numbers = #tpu.dot_dimension_numbers<[1], [0], [0], [1], [0, 0, 1, 1], [], []>, transpose_lhs_hint = false} : vector<1000x128xf32>, vector<128x384xf32>, vector<1000x384xf32> -> vector<1000x384xf32>
    %get3A_30 = arith.constant 0 : index
    %get3A_31 = arith.constant 0 : index
    %get3A_32 = vector.load %arg6[%get3A_30, %get3A_31] : memref<1x384xf32, #tpu.memory_space<vmem>>, vector<1x384xf32>
    %add3A_33 = vector.broadcast %get3A_32 : vector<1x384xf32> to vector<1000x384xf32>
    %add3A_34 = arith.addf %dot_general3A_29, %add3A_33 : vector<1000x384xf32>
    %slice3A = vector.extract_strided_slice %add3A_34 {offsets = [0, 0], sizes = [1000, 128], strides = [1, 1]} : vector<1000x384xf32> to vector<1000x128xf32>
    %mul3A_35 = arith.constant 2.500000e-01 : f32
    %mul3A_36 = vector.broadcast %mul3A_35 : f32 to vector<1000x128xf32>
    %mul3A_37 = arith.mulf %slice3A, %mul3A_36 : vector<1000x128xf32>
    %swap3A = arith.constant 0 : index
    %swap3A_38 = arith.constant 0 : index
    %swap3A_39 = vector.load %arg7[%swap3A, %swap3A_38] : memref<1000x128xf32, #tpu.memory_space<vmem>>, vector<1000x128xf32>
    tpu.vector_store %arg7[%swap3A, %swap3A_38], %mul3A_37 {strides = array<i32>} : memref<1000x128xf32, #tpu.memory_space<vmem>>, vector<1000x128xf32>,
    %slice3A_40 = vector.extract_strided_slice %add3A_34 {offsets = [0, 128], sizes = [1000, 256], strides = [1, 1]} : vector<1000x384xf32> to vector<1000x256xf32>
    %swap3A_41 = arith.constant 0 : index
    %swap3A_42 = arith.constant 0 : index
    %swap3A_43 = vector.load %arg8[%swap3A_41, %swap3A_42] : memref<1000x384xf32, #tpu.memory_space<vmem>>, vector<1000x256xf32>
    tpu.vector_store %arg8[%swap3A_41, %swap3A_42], %slice3A_40 {strides = array<i32>} : memref<1000x384xf32, #tpu.memory_space<vmem>>, vector<1000x256xf32>,
    %get3A_44 = arith.constant 0 : index
    %get3A_45 = arith.constant 0 : index
    %get3A_46 = vector.load %arg2[%get3A_44, %get3A_45] : memref<1000x128xf32, #tpu.memory_space<vmem>>, vector<1000x128xf32>
    %swap3A_47 = arith.constant 0 : index
    %swap3A_48 = arith.constant 256 : index
    %swap3A_49 = vector.load %arg8[%swap3A_47, %swap3A_48] : memref<1000x384xf32, #tpu.memory_space<vmem>>, vector<1000x128xf32>
    tpu.vector_store %arg8[%swap3A_47, %swap3A_48], %get3A_46 {strides = array<i32>} : memref<1000x384xf32, #tpu.memory_space<vmem>>, vector<1000x128xf32>,
    return
  }
  func.func @transform_0(%arg0: i32) -> (i32, i32) {
    %c0_i32 = arith.constant 0 : i32
    %c0_i32_0 = arith.constant 0 : i32
    return %arg0, %c0_i32 : i32, i32
  }
  func.func @transform_1(%arg0: i32) -> (i32, i32) {
    %c0_i32 = arith.constant 0 : i32
    %c0_i32_0 = arith.constant 0 : i32
    return %arg0, %c0_i32 : i32, i32
  }
  func.func @transform_2(%arg0: i32) -> (i32, i32) {
    %c0_i32 = arith.constant 0 : i32
    %c0_i32_0 = arith.constant 0 : i32
    %c0_i32_1 = arith.constant 0 : i32
    return %c0_i32, %c0_i32_0 : i32, i32
  }
  func.func @transform_3(%arg0: i32) -> (i32, i32) {
    %c0_i32 = arith.constant 0 : i32
    %c0_i32_0 = arith.constant 0 : i32
    %c0_i32_1 = arith.constant 0 : i32
    return %c0_i32, %c0_i32_0 : i32, i32
  }
  func.func @transform_4(%arg0: i32) -> (i32, i32) {
    %c0_i32 = arith.constant 0 : i32
    %c0_i32_0 = arith.constant 0 : i32
    %c0_i32_1 = arith.constant 0 : i32
    return %c0_i32, %c0_i32_0 : i32, i32
  }
  func.func @transform_5(%arg0: i32) -> (i32, i32) {
    %c0_i32 = arith.constant 0 : i32
    %c0_i32_0 = arith.constant 0 : i32
    %c0_i32_1 = arith.constant 0 : i32
    return %c0_i32, %c0_i32_0 : i32, i32
  }
  func.func @transform_6(%arg0: i32) -> (i32, i32) {
    %c0_i32 = arith.constant 0 : i32
    %c0_i32_0 = arith.constant 0 : i32
    return %arg0, %c0_i32 : i32, i32
  }
  func.func @transform_7(%arg0: i32) -> (i32, i32) {
    %c0_i32 = arith.constant 0 : i32
    %c0_i32_0 = arith.constant 0 : i32
    return %arg0, %c0_i32 : i32, i32
  }
}

module attributes {stable_mosaic.version = 14 : i64} {
  func.func @_attn1_body(%arg0: i32, %arg1: memref<16x200x384xf32, #tpu.memory_space<vmem>>, %arg2: memref<200x128xf32, #tpu.memory_space<vmem>>, %arg3: memref<200x16xf32, #tpu.memory_space<vmem>>, %arg4: memref<200x128xf32, #tpu.memory_space<vmem>>, %arg5: memref<48x384xf32, #tpu.memory_space<vmem>>, %arg6: memref<128x8xf32, #tpu.memory_space<vmem>>, %arg7: memref<8x128xf32, #tpu.memory_space<vmem>>, %arg8: memref<128x128xf32, #tpu.memory_space<vmem>>, %arg9: memref<1x128xf32, #tpu.memory_space<vmem>>, %arg10: memref<200x128xf32, #tpu.memory_space<vmem>>, %arg11: memref<1x16x200xi32, #tpu.memory_space<vmem>>) attributes {dimension_semantics = [#tpu.dimension_semantics<arbitrary>], iteration_bounds = array<i64: 50>, scalar_prefetch = 0 : i64, scratch_operands = 0 : i64, tpu.core_type = #tpu.core_type<tc>, window_params = [{transform_indices = @transform_0, window_bounds = array<i64: 16, 200, 384>}, {transform_indices = @transform_1, window_bounds = array<i64: 200, 128>}, {transform_indices = @transform_2, window_bounds = array<i64: 200, 16>}, {transform_indices = @transform_3, window_bounds = array<i64: 200, 128>}, {pipeline_mode = #tpu.pipeline_mode<synchronous>, transform_indices = @transform_4, window_bounds = array<i64: 48, 384>}, {pipeline_mode = #tpu.pipeline_mode<synchronous>, transform_indices = @transform_5, window_bounds = array<i64: 128, 8>}, {pipeline_mode = #tpu.pipeline_mode<synchronous>, transform_indices = @transform_6, window_bounds = array<i64: 8, 128>}, {pipeline_mode = #tpu.pipeline_mode<synchronous>, transform_indices = @transform_7, window_bounds = array<i64: 128, 128>}, {pipeline_mode = #tpu.pipeline_mode<synchronous>, transform_indices = @transform_8, window_bounds = array<i64: 1, 128>}, {transform_indices = @transform_9, window_bounds = array<i64: 200, 128>}, {transform_indices = @transform_10, window_bounds = array<i64: 1, 16, 200>}]} {
    %get3A = arith.constant 0 : index
    %get3A_0 = arith.constant 0 : index
    %get3A_1 = arith.constant 0 : index
    %get3A_2 = vector.load %arg1[%get3A, %get3A_0, %get3A_1] : memref<16x200x384xf32, #tpu.memory_space<vmem>>, vector<16x200x384xf32>
    %get3A_3 = arith.constant 0 : index
    %get3A_4 = arith.constant 0 : index
    %get3A_5 = vector.load %arg3[%get3A_3, %get3A_4] : memref<200x16xf32, #tpu.memory_space<vmem>>, vector<200x16xf32>
    %slice3A = vector.extract_strided_slice %get3A_2 {offsets = [0, 0, 256], sizes = [16, 200, 3], strides = [1, 1, 1]} : vector<16x200x384xf32> to vector<16x200x3xf32>
    %slice3A_6 = vector.extract_strided_slice %get3A_5 {offsets = [0, 0], sizes = [200, 3], strides = [1, 1]} : vector<200x16xf32> to vector<200x3xf32>
    %broadcast_in_dim3A = vector.shape_cast %slice3A_6 : vector<200x3xf32> to vector<1x200x3xf32>
    %sub3A = vector.broadcast %broadcast_in_dim3A : vector<1x200x3xf32> to vector<16x200x3xf32>
    %sub3A_7 = arith.subf %sub3A, %slice3A : vector<16x200x3xf32>
    %mul3A = arith.constant 1.000000e+05 : f32
    %mul3A_8 = vector.broadcast %mul3A : f32 to vector<16x200x3xf32>
    %mul3A_9 = arith.mulf %sub3A_7, %mul3A_8 : vector<16x200x3xf32>
    %round3A = math.roundeven %mul3A_9 : vector<16x200x3xf32>
    %div3A = arith.constant 1.000000e+05 : f32
    %div3A_10 = vector.broadcast %div3A : f32 to vector<16x200x3xf32>
    %div3A_11 = arith.divf %round3A, %div3A_10 : vector<16x200x3xf32>
    %add3A = arith.constant 3.200000e-01 : f32
    %add3A_12 = vector.broadcast %add3A : f32 to vector<16x200x3xf32>
    %add3A_13 = arith.addf %div3A_11, %add3A_12 : vector<16x200x3xf32>
    %sub3A_14 = arith.constant 9.99999974E-5 : f32
    %sub3A_15 = vector.broadcast %sub3A_14 : f32 to vector<16x200x3xf32>
    %sub3A_16 = arith.subf %add3A_13, %sub3A_15 : vector<16x200x3xf32>
    %div3A_17 = arith.constant 4.000000e-02 : f32
    %div3A_18 = vector.broadcast %div3A_17 : f32 to vector<16x200x3xf32>
    %div3A_19 = arith.divf %sub3A_16, %div3A_18 : vector<16x200x3xf32>
    %floor3A = math.floor %div3A_19 : vector<16x200x3xf32>
    %convert_element_type3A = arith.fptosi %floor3A : vector<16x200x3xf32> to vector<16x200x3xi32>
    %jit3A = arith.constant 0 : i32
    %jit3A_20 = arith.constant 15 : i32
    %max3A = vector.broadcast %jit3A : i32 to vector<16x200x3xi32>
    %max3A_21 = arith.maxsi %max3A, %convert_element_type3A : vector<16x200x3xi32>
    %min3A = vector.broadcast %jit3A_20 : i32 to vector<16x200x3xi32>
    %min3A_22 = arith.minsi %min3A, %max3A_21 : vector<16x200x3xi32>
    %slice3A_23 = vector.extract_strided_slice %min3A_22 {offsets = [0, 0, 0], sizes = [16, 200, 1], strides = [1, 1, 1]} : vector<16x200x3xi32> to vector<16x200x1xi32>
    %slice3A_24 = vector.extract_strided_slice %min3A_22 {offsets = [0, 0, 1], sizes = [16, 200, 1], strides = [1, 1, 1]} : vector<16x200x3xi32> to vector<16x200x1xi32>
    %mul3A_25 = arith.constant 16 : i32
    %mul3A_26 = vector.broadcast %mul3A_25 : i32 to vector<16x200x1xi32>
    %mul3A_27 = arith.muli %slice3A_24, %mul3A_26 : vector<16x200x1xi32>
    %add3A_28 = arith.addi %slice3A_23, %mul3A_27 : vector<16x200x1xi32>
    %slice3A_29 = vector.extract_strided_slice %min3A_22 {offsets = [0, 0, 2], sizes = [16, 200, 1], strides = [1, 1, 1]} : vector<16x200x3xi32> to vector<16x200x1xi32>
    %mul3A_30 = arith.constant 256 : i32
    %mul3A_31 = vector.broadcast %mul3A_30 : i32 to vector<16x200x1xi32>
    %mul3A_32 = arith.muli %slice3A_29, %mul3A_31 : vector<16x200x1xi32>
    %add3A_33 = arith.addi %add3A_28, %mul3A_32 : vector<16x200x1xi32>
    %reshape3A = vector.shape_cast %add3A_33 : vector<16x200x1xi32> to vector<1x16x200xi32>
    %swap3A = arith.constant 0 : index
    %swap3A_34 = arith.constant 0 : index
    %swap3A_35 = arith.constant 0 : index
    %swap3A_36 = vector.load %arg11[%swap3A, %swap3A_34, %swap3A_35] : memref<1x16x200xi32, #tpu.memory_space<vmem>>, vector<1x16x200xi32>
    tpu.vector_store %arg11[%swap3A, %swap3A_34, %swap3A_35], %reshape3A {strides = array<i32>} : memref<1x16x200xi32, #tpu.memory_space<vmem>>, vector<1x16x200xi32>,
    %slice3A_37 = vector.extract_strided_slice %get3A_2 {offsets = [0, 0, 0], sizes = [16, 200, 128], strides = [1, 1, 1]} : vector<16x200x384xf32> to vector<16x200x128xf32>
    %slice3A_38 = vector.extract_strided_slice %get3A_2 {offsets = [0, 0, 128], sizes = [16, 200, 128], strides = [1, 1, 1]} : vector<16x200x384xf32> to vector<16x200x128xf32>
    %get3A_39 = arith.constant 0 : index
    %get3A_40 = arith.constant 0 : index
    %get3A_41 = vector.load %arg2[%get3A_39, %get3A_40] : memref<200x128xf32, #tpu.memory_space<vmem>>, vector<200x128xf32>
    %get3A_42 = arith.constant 0 : index
    %get3A_43 = arith.constant 0 : index
    %get3A_44 = vector.load %arg4[%get3A_42, %get3A_43] : memref<200x128xf32, #tpu.memory_space<vmem>>, vector<200x128xf32>
    %iota3A = tpu.iota {dimensions = array<i32: 2>} : vector<16x200x48xi32>
    %and3A = arith.constant 15 : i32
    %and3A_45 = vector.broadcast %and3A : i32 to vector<16x200x1xi32>
    %and3A_46 = arith.andi %add3A_33, %and3A_45 : vector<16x200x1xi32>
    %eq3A = vector.broadcast %and3A_46 : vector<16x200x1xi32> to vector<16x200x48xi32>
    %eq3A_47 = arith.cmpi eq, %iota3A, %eq3A : vector<16x200x48xi32>
    %shift_right_arithmetic3A = arith.constant 4 : i32
    %shift_right_arithmetic3A_48 = vector.broadcast %shift_right_arithmetic3A : i32 to vector<16x200x1xi32>
    %shift_right_arithmetic3A_49 = arith.shrsi %add3A_33, %shift_right_arithmetic3A_48 : vector<16x200x1xi32>
    %and3A_50 = arith.constant 15 : i32
    %and3A_51 = vector.broadcast %and3A_50 : i32 to vector<16x200x1xi32>
    %and3A_52 = arith.andi %shift_right_arithmetic3A_49, %and3A_51 : vector<16x200x1xi32>
    %add3A_53 = arith.constant 16 : i32
    %add3A_54 = vector.broadcast %add3A_53 : i32 to vector<16x200x1xi32>
    %add3A_55 = arith.addi %and3A_52, %add3A_54 : vector<16x200x1xi32>
    %eq3A_56 = vector.broadcast %add3A_55 : vector<16x200x1xi32> to vector<16x200x48xi32>
    %eq3A_57 = arith.cmpi eq, %iota3A, %eq3A_56 : vector<16x200x48xi32>
    %or3A = arith.ori %eq3A_47, %eq3A_57 : vector<16x200x48xi1>
    %shift_right_arithmetic3A_58 = arith.constant 8 : i32
    %shift_right_arithmetic3A_59 = vector.broadcast %shift_right_arithmetic3A_58 : i32 to vector<16x200x1xi32>
    %shift_right_arithmetic3A_60 = arith.shrsi %add3A_33, %shift_right_arithmetic3A_59 : vector<16x200x1xi32>
    %add3A_61 = arith.constant 32 : i32
    %add3A_62 = vector.broadcast %add3A_61 : i32 to vector<16x200x1xi32>
    %add3A_63 = arith.addi %shift_right_arithmetic3A_60, %add3A_62 : vector<16x200x1xi32>
    %eq3A_64 = vector.broadcast %add3A_63 : vector<16x200x1xi32> to vector<16x200x48xi32>
    %eq3A_65 = arith.cmpi eq, %iota3A, %eq3A_64 : vector<16x200x48xi32>
    %or3A_66 = arith.ori %or3A, %eq3A_65 : vector<16x200x48xi1>
    %convert_element_type3A_67 = arith.extui %or3A_66 : vector<16x200x48xi1> to vector<16x200x48xi32>
    %convert_element_type3A_68 = arith.sitofp %convert_element_type3A_67 : vector<16x200x48xi32> to vector<16x200x48xf32>
    %reshape3A_69 = vector.shape_cast %convert_element_type3A_68 : vector<16x200x48xf32> to vector<3200x48xf32>
    %get3A_70 = arith.constant 0 : index
    %get3A_71 = arith.constant 0 : index
    %get3A_72 = vector.load %arg5[%get3A_70, %get3A_71] : memref<48x384xf32, #tpu.memory_space<vmem>>, vector<48x384xf32>
    %dot_general3A = arith.constant dense<0.000000e+00> : vector<3200x384xf32>
    %dot_general3A_73 = tpu.matmul %reshape3A_69, %get3A_72, %dot_general3A {dimension_numbers = #tpu.dot_dimension_numbers<[1], [0], [0], [1], [0, 0, 1, 1], [], []>, transpose_lhs_hint = false} : vector<3200x48xf32>, vector<48x384xf32>, vector<3200x384xf32> -> vector<3200x384xf32>
    %reshape3A_74 = vector.shape_cast %dot_general3A_73 : vector<3200x384xf32> to vector<16x200x384xf32>
    %broadcast_in_dim3A_75 = vector.shape_cast %get3A_41 : vector<200x128xf32> to vector<1x200x128xf32>
    %slice3A_76 = vector.extract_strided_slice %reshape3A_74 {offsets = [0, 0, 0], sizes = [16, 200, 128], strides = [1, 1, 1]} : vector<16x200x384xf32> to vector<16x200x128xf32>
    %add3A_77 = arith.addf %slice3A_37, %slice3A_76 : vector<16x200x128xf32>
    %mul3A_78 = vector.broadcast %broadcast_in_dim3A_75 : vector<1x200x128xf32> to vector<16x200x128xf32>
    %mul3A_79 = arith.mulf %mul3A_78, %add3A_77 : vector<16x200x128xf32>
    %slice3A_80 = vector.extract_strided_slice %reshape3A_74 {offsets = [0, 0, 128], sizes = [16, 200, 128], strides = [1, 1, 1]} : vector<16x200x384xf32> to vector<16x200x128xf32>
    %mul3A_81 = arith.mulf %slice3A_37, %slice3A_80 : vector<16x200x128xf32>
    %add3A_82 = arith.addf %mul3A_79, %mul3A_81 : vector<16x200x128xf32>
    %reshape3A_83 = vector.shape_cast %add3A_82 : vector<16x200x128xf32> to vector<3200x128xf32>
    %get3A_84 = arith.constant 0 : index
    %get3A_85 = arith.constant 0 : index
    %get3A_86 = vector.load %arg6[%get3A_84, %get3A_85] : memref<128x8xf32, #tpu.memory_space<vmem>>, vector<128x8xf32>
    %dot_general3A_87 = arith.constant dense<0.000000e+00> : vector<3200x8xf32>
    %dot_general3A_88 = tpu.matmul %reshape3A_83, %get3A_86, %dot_general3A_87 {dimension_numbers = #tpu.dot_dimension_numbers<[1], [0], [0], [1], [0, 0, 1, 1], [], []>, transpose_lhs_hint = false} : vector<3200x128xf32>, vector<128x8xf32>, vector<3200x8xf32> -> vector<3200x8xf32>
    %reshape3A_89 = vector.shape_cast %dot_general3A_88 : vector<3200x8xf32> to vector<16x200x8xf32>
    %reduce_max3A = arith.constant dense<0xFF800000> : vector<200x8xf32>
    %reduce_max3A_90 = vector.multi_reduction <maximumf>, %reshape3A_89, %reduce_max3A [0] : vector<16x200x8xf32> to vector<200x8xf32>
    %broadcast_in_dim3A_91 = vector.shape_cast %reduce_max3A_90 : vector<200x8xf32> to vector<1x200x8xf32>
    %sub3A_92 = vector.broadcast %broadcast_in_dim3A_91 : vector<1x200x8xf32> to vector<16x200x8xf32>
    %sub3A_93 = arith.subf %reshape3A_89, %sub3A_92 : vector<16x200x8xf32>
    %exp3A = math.exp %sub3A_93 : vector<16x200x8xf32>
    %reduce_sum3A = arith.constant dense<0.000000e+00> : vector<200x8xf32>
    %reduce_sum3A_94 = vector.multi_reduction <add>, %exp3A, %reduce_sum3A [0] : vector<16x200x8xf32> to vector<200x8xf32>
    %broadcast_in_dim3A_95 = vector.shape_cast %reduce_sum3A_94 : vector<200x8xf32> to vector<1x200x8xf32>
    %div3A_96 = vector.broadcast %broadcast_in_dim3A_95 : vector<1x200x8xf32> to vector<16x200x8xf32>
    %div3A_97 = arith.divf %exp3A, %div3A_96 : vector<16x200x8xf32>
    %reshape3A_98 = vector.shape_cast %div3A_97 : vector<16x200x8xf32> to vector<3200x8xf32>
    %get3A_99 = arith.constant 0 : index
    %get3A_100 = arith.constant 0 : index
    %get3A_101 = vector.load %arg7[%get3A_99, %get3A_100] : memref<8x128xf32, #tpu.memory_space<vmem>>, vector<8x128xf32>
    %dot_general3A_102 = arith.constant dense<0.000000e+00> : vector<3200x128xf32>
    %dot_general3A_103 = tpu.matmul %reshape3A_98, %get3A_101, %dot_general3A_102 {dimension_numbers = #tpu.dot_dimension_numbers<[1], [0], [0], [1], [0, 0, 1, 1], [], []>, transpose_lhs_hint = false} : vector<3200x8xf32>, vector<8x128xf32>, vector<3200x128xf32> -> vector<3200x128xf32>
    %reshape3A_104 = vector.shape_cast %dot_general3A_103 : vector<3200x128xf32> to vector<16x200x128xf32>
    %slice3A_105 = vector.extract_strided_slice %reshape3A_74 {offsets = [0, 0, 256], sizes = [16, 200, 128], strides = [1, 1, 1]} : vector<16x200x384xf32> to vector<16x200x128xf32>
    %add3A_106 = arith.addf %slice3A_38, %slice3A_105 : vector<16x200x128xf32>
    %mul3A_107 = arith.mulf %reshape3A_104, %add3A_106 : vector<16x200x128xf32>
    %reduce_sum3A_108 = arith.constant dense<0.000000e+00> : vector<200x128xf32>
    %reduce_sum3A_109 = vector.multi_reduction <add>, %mul3A_107, %reduce_sum3A_108 [0] : vector<16x200x128xf32> to vector<200x128xf32>
    %get3A_110 = arith.constant 0 : index
    %get3A_111 = arith.constant 0 : index
    %get3A_112 = vector.load %arg8[%get3A_110, %get3A_111] : memref<128x128xf32, #tpu.memory_space<vmem>>, vector<128x128xf32>
    %dot_general3A_113 = arith.constant dense<0.000000e+00> : vector<200x128xf32>
    %dot_general3A_114 = tpu.matmul %reduce_sum3A_109, %get3A_112, %dot_general3A_113 {dimension_numbers = #tpu.dot_dimension_numbers<[1], [0], [0], [1], [0, 0, 1, 1], [], []>, transpose_lhs_hint = false} : vector<200x128xf32>, vector<128x128xf32>, vector<200x128xf32> -> vector<200x128xf32>
    %get3A_115 = arith.constant 0 : index
    %get3A_116 = arith.constant 0 : index
    %get3A_117 = vector.load %arg9[%get3A_115, %get3A_116] : memref<1x128xf32, #tpu.memory_space<vmem>>, vector<1x128xf32>
    %add3A_118 = vector.broadcast %get3A_117 : vector<1x128xf32> to vector<200x128xf32>
    %add3A_119 = arith.addf %dot_general3A_114, %add3A_118 : vector<200x128xf32>
    %add3A_120 = arith.addf %add3A_119, %get3A_44 : vector<200x128xf32>
    %swap3A_121 = arith.constant 0 : index
    %swap3A_122 = arith.constant 0 : index
    %swap3A_123 = vector.load %arg10[%swap3A_121, %swap3A_122] : memref<200x128xf32, #tpu.memory_space<vmem>>, vector<200x128xf32>
    tpu.vector_store %arg10[%swap3A_121, %swap3A_122], %add3A_120 {strides = array<i32>} : memref<200x128xf32, #tpu.memory_space<vmem>>, vector<200x128xf32>,
    return
  }
  func.func @transform_0(%arg0: i32) -> (i32, i32, i32) {
    %c0_i32 = arith.constant 0 : i32
    %c0_i32_0 = arith.constant 0 : i32
    %c0_i32_1 = arith.constant 0 : i32
    return %c0_i32, %arg0, %c0_i32_0 : i32, i32, i32
  }
  func.func @transform_1(%arg0: i32) -> (i32, i32) {
    %c0_i32 = arith.constant 0 : i32
    %c0_i32_0 = arith.constant 0 : i32
    return %arg0, %c0_i32 : i32, i32
  }
  func.func @transform_2(%arg0: i32) -> (i32, i32) {
    %c0_i32 = arith.constant 0 : i32
    %c0_i32_0 = arith.constant 0 : i32
    return %arg0, %c0_i32 : i32, i32
  }
  func.func @transform_3(%arg0: i32) -> (i32, i32) {
    %c0_i32 = arith.constant 0 : i32
    %c0_i32_0 = arith.constant 0 : i32
    return %arg0, %c0_i32 : i32, i32
  }
  func.func @transform_4(%arg0: i32) -> (i32, i32) {
    %c0_i32 = arith.constant 0 : i32
    %c0_i32_0 = arith.constant 0 : i32
    %c0_i32_1 = arith.constant 0 : i32
    return %c0_i32, %c0_i32_0 : i32, i32
  }
  func.func @transform_5(%arg0: i32) -> (i32, i32) {
    %c0_i32 = arith.constant 0 : i32
    %c0_i32_0 = arith.constant 0 : i32
    %c0_i32_1 = arith.constant 0 : i32
    return %c0_i32, %c0_i32_0 : i32, i32
  }
  func.func @transform_6(%arg0: i32) -> (i32, i32) {
    %c0_i32 = arith.constant 0 : i32
    %c0_i32_0 = arith.constant 0 : i32
    %c0_i32_1 = arith.constant 0 : i32
    return %c0_i32, %c0_i32_0 : i32, i32
  }
  func.func @transform_7(%arg0: i32) -> (i32, i32) {
    %c0_i32 = arith.constant 0 : i32
    %c0_i32_0 = arith.constant 0 : i32
    %c0_i32_1 = arith.constant 0 : i32
    return %c0_i32, %c0_i32_0 : i32, i32
  }
  func.func @transform_8(%arg0: i32) -> (i32, i32) {
    %c0_i32 = arith.constant 0 : i32
    %c0_i32_0 = arith.constant 0 : i32
    %c0_i32_1 = arith.constant 0 : i32
    return %c0_i32, %c0_i32_0 : i32, i32
  }
  func.func @transform_9(%arg0: i32) -> (i32, i32) {
    %c0_i32 = arith.constant 0 : i32
    %c0_i32_0 = arith.constant 0 : i32
    return %arg0, %c0_i32 : i32, i32
  }
  func.func @transform_10(%arg0: i32) -> (i32, i32, i32) {
    %c0_i32 = arith.constant 0 : i32
    %c0_i32_0 = arith.constant 0 : i32
    %c0_i32_1 = arith.constant 0 : i32
    return %arg0, %c0_i32, %c0_i32_0 : i32, i32, i32
  }
}

module attributes {stable_mosaic.version = 14 : i64} {
  func.func @_mlp_qkv_body(%arg0: i32, %arg1: memref<1000x128xf32, #tpu.memory_space<vmem>>, %arg2: memref<1x128xf32, #tpu.memory_space<vmem>>, %arg3: memref<1x128xf32, #tpu.memory_space<vmem>>, %arg4: memref<128x512xf32, #tpu.memory_space<vmem>>, %arg5: memref<1x512xf32, #tpu.memory_space<vmem>>, %arg6: memref<512x128xf32, #tpu.memory_space<vmem>>, %arg7: memref<1x128xf32, #tpu.memory_space<vmem>>, %arg8: memref<1x128xf32, #tpu.memory_space<vmem>>, %arg9: memref<1x128xf32, #tpu.memory_space<vmem>>, %arg10: memref<128x384xf32, #tpu.memory_space<vmem>>, %arg11: memref<1x384xf32, #tpu.memory_space<vmem>>, %arg12: memref<1000x128xf32, #tpu.memory_space<vmem>>, %arg13: memref<1000x128xf32, #tpu.memory_space<vmem>>, %arg14: memref<1000x256xf32, #tpu.memory_space<vmem>>) attributes {dimension_semantics = [#tpu.dimension_semantics<arbitrary>], iteration_bounds = array<i64: 10>, scalar_prefetch = 0 : i64, scratch_operands = 0 : i64, tpu.core_type = #tpu.core_type<tc>, window_params = [{transform_indices = @transform_0, window_bounds = array<i64: 1000, 128>}, {pipeline_mode = #tpu.pipeline_mode<synchronous>, transform_indices = @transform_1, window_bounds = array<i64: 1, 128>}, {pipeline_mode = #tpu.pipeline_mode<synchronous>, transform_indices = @transform_2, window_bounds = array<i64: 1, 128>}, {pipeline_mode = #tpu.pipeline_mode<synchronous>, transform_indices = @transform_3, window_bounds = array<i64: 128, 512>}, {pipeline_mode = #tpu.pipeline_mode<synchronous>, transform_indices = @transform_4, window_bounds = array<i64: 1, 512>}, {pipeline_mode = #tpu.pipeline_mode<synchronous>, transform_indices = @transform_5, window_bounds = array<i64: 512, 128>}, {pipeline_mode = #tpu.pipeline_mode<synchronous>, transform_indices = @transform_6, window_bounds = array<i64: 1, 128>}, {pipeline_mode = #tpu.pipeline_mode<synchronous>, transform_indices = @transform_7, window_bounds = array<i64: 1, 128>}, {pipeline_mode = #tpu.pipeline_mode<synchronous>, transform_indices = @transform_8, window_bounds = array<i64: 1, 128>}, {pipeline_mode = #tpu.pipeline_mode<synchronous>, transform_indices = @transform_9, window_bounds = array<i64: 128, 384>}, {pipeline_mode = #tpu.pipeline_mode<synchronous>, transform_indices = @transform_10, window_bounds = array<i64: 1, 384>}, {transform_indices = @transform_11, window_bounds = array<i64: 1000, 128>}, {transform_indices = @transform_12, window_bounds = array<i64: 1000, 128>}, {transform_indices = @transform_13, window_bounds = array<i64: 1000, 256>}]} {
    %get3A = arith.constant 0 : index
    %get3A_0 = arith.constant 0 : index
    %get3A_1 = vector.load %arg1[%get3A, %get3A_0] : memref<1000x128xf32, #tpu.memory_space<vmem>>, vector<1000x128xf32>
    %get3A_2 = arith.constant 0 : index
    %get3A_3 = arith.constant 0 : index
    %get3A_4 = vector.load %arg2[%get3A_2, %get3A_3] : memref<1x128xf32, #tpu.memory_space<vmem>>, vector<1x128xf32>
    %get3A_5 = arith.constant 0 : index
    %get3A_6 = arith.constant 0 : index
    %get3A_7 = vector.load %arg3[%get3A_5, %get3A_6] : memref<1x128xf32, #tpu.memory_space<vmem>>, vector<1x128xf32>
    %reduce_sum3A = arith.constant dense<0.000000e+00> : vector<1000xf32>
    %reduce_sum3A_8 = vector.multi_reduction <add>, %get3A_1, %reduce_sum3A [1] : vector<1000x128xf32> to vector<1000xf32>
    %broadcast_in_dim3A = vector.shape_cast %reduce_sum3A_8 : vector<1000xf32> to vector<1000x1xf32>
    %div3A = arith.constant 1.280000e+02 : f32
    %div3A_9 = vector.broadcast %div3A : f32 to vector<1000x1xf32>
    %div3A_10 = arith.divf %broadcast_in_dim3A, %div3A_9 : vector<1000x1xf32>
    %sub3A = vector.broadcast %div3A_10 : vector<1000x1xf32> to vector<1000x128xf32>
    %sub3A_11 = arith.subf %get3A_1, %sub3A : vector<1000x128xf32>
    %mul3A = arith.mulf %sub3A_11, %sub3A_11 : vector<1000x128xf32>
    %reduce_sum3A_12 = arith.constant dense<0.000000e+00> : vector<1000xf32>
    %reduce_sum3A_13 = vector.multi_reduction <add>, %mul3A, %reduce_sum3A_12 [1] : vector<1000x128xf32> to vector<1000xf32>
    %broadcast_in_dim3A_14 = vector.shape_cast %reduce_sum3A_13 : vector<1000xf32> to vector<1000x1xf32>
    %div3A_15 = arith.constant 1.280000e+02 : f32
    %div3A_16 = vector.broadcast %div3A_15 : f32 to vector<1000x1xf32>
    %div3A_17 = arith.divf %broadcast_in_dim3A_14, %div3A_16 : vector<1000x1xf32>
    %add3A = arith.constant 9.99999974E-6 : f32
    %add3A_18 = vector.broadcast %add3A : f32 to vector<1000x1xf32>
    %add3A_19 = arith.addf %div3A_17, %add3A_18 : vector<1000x1xf32>
    %sqrt3A = math.sqrt %add3A_19 : vector<1000x1xf32>
    %div3A_20 = vector.broadcast %sqrt3A : vector<1000x1xf32> to vector<1000x128xf32>
    %div3A_21 = arith.divf %sub3A_11, %div3A_20 : vector<1000x128xf32>
    %mul3A_22 = vector.broadcast %get3A_4 : vector<1x128xf32> to vector<1000x128xf32>
    %mul3A_23 = arith.mulf %div3A_21, %mul3A_22 : vector<1000x128xf32>
    %add3A_24 = vector.broadcast %get3A_7 : vector<1x128xf32> to vector<1000x128xf32>
    %add3A_25 = arith.addf %mul3A_23, %add3A_24 : vector<1000x128xf32>
    %get3A_26 = arith.constant 0 : index
    %get3A_27 = arith.constant 0 : index
    %get3A_28 = vector.load %arg4[%get3A_26, %get3A_27] : memref<128x512xf32, #tpu.memory_space<vmem>>, vector<128x512xf32>
    %dot_general3A = arith.constant dense<0.000000e+00> : vector<1000x512xf32>
    %dot_general3A_29 = tpu.matmul %add3A_25, %get3A_28, %dot_general3A {dimension_numbers = #tpu.dot_dimension_numbers<[1], [0], [0], [1], [0, 0, 1, 1], [], []>, transpose_lhs_hint = false} : vector<1000x128xf32>, vector<128x512xf32>, vector<1000x512xf32> -> vector<1000x512xf32>
    %get3A_30 = arith.constant 0 : index
    %get3A_31 = arith.constant 0 : index
    %get3A_32 = vector.load %arg5[%get3A_30, %get3A_31] : memref<1x512xf32, #tpu.memory_space<vmem>>, vector<1x512xf32>
    %add3A_33 = vector.broadcast %get3A_32 : vector<1x512xf32> to vector<1000x512xf32>
    %add3A_34 = arith.addf %dot_general3A_29, %add3A_33 : vector<1000x512xf32>
    %integer_pow3A = arith.mulf %add3A_34, %add3A_34 : vector<1000x512xf32>
    %integer_pow3A_35 = arith.mulf %add3A_34, %integer_pow3A : vector<1000x512xf32>
    %mul3A_36 = arith.constant 4.471500e-02 : f32
    %mul3A_37 = vector.broadcast %mul3A_36 : f32 to vector<1000x512xf32>
    %mul3A_38 = arith.mulf %mul3A_37, %integer_pow3A_35 : vector<1000x512xf32>
    %add3A_39 = arith.addf %add3A_34, %mul3A_38 : vector<1000x512xf32>
    %mul3A_40 = arith.constant 0.797884583 : f32
    %mul3A_41 = vector.broadcast %mul3A_40 : f32 to vector<1000x512xf32>
    %mul3A_42 = arith.mulf %mul3A_41, %add3A_39 : vector<1000x512xf32>
    %tanh3A = math.tanh %mul3A_42 : vector<1000x512xf32>
    %add3A_43 = arith.constant 1.000000e+00 : f32
    %add3A_44 = vector.broadcast %add3A_43 : f32 to vector<1000x512xf32>
    %add3A_45 = arith.addf %add3A_44, %tanh3A : vector<1000x512xf32>
    %mul3A_46 = arith.constant 5.000000e-01 : f32
    %mul3A_47 = vector.broadcast %mul3A_46 : f32 to vector<1000x512xf32>
    %mul3A_48 = arith.mulf %mul3A_47, %add3A_45 : vector<1000x512xf32>
    %mul3A_49 = arith.mulf %add3A_34, %mul3A_48 : vector<1000x512xf32>
    %get3A_50 = arith.constant 0 : index
    %get3A_51 = arith.constant 0 : index
    %get3A_52 = vector.load %arg6[%get3A_50, %get3A_51] : memref<512x128xf32, #tpu.memory_space<vmem>>, vector<512x128xf32>
    %dot_general3A_53 = arith.constant dense<0.000000e+00> : vector<1000x128xf32>
    %dot_general3A_54 = tpu.matmul %mul3A_49, %get3A_52, %dot_general3A_53 {dimension_numbers = #tpu.dot_dimension_numbers<[1], [0], [0], [1], [0, 0, 1, 1], [], []>, transpose_lhs_hint = false} : vector<1000x512xf32>, vector<512x128xf32>, vector<1000x128xf32> -> vector<1000x128xf32>
    %add3A_55 = arith.addf %get3A_1, %dot_general3A_54 : vector<1000x128xf32>
    %get3A_56 = arith.constant 0 : index
    %get3A_57 = arith.constant 0 : index
    %get3A_58 = vector.load %arg7[%get3A_56, %get3A_57] : memref<1x128xf32, #tpu.memory_space<vmem>>, vector<1x128xf32>
    %add3A_59 = vector.broadcast %get3A_58 : vector<1x128xf32> to vector<1000x128xf32>
    %add3A_60 = arith.addf %add3A_55, %add3A_59 : vector<1000x128xf32>
    %swap3A = arith.constant 0 : index
    %swap3A_61 = arith.constant 0 : index
    %swap3A_62 = vector.load %arg12[%swap3A, %swap3A_61] : memref<1000x128xf32, #tpu.memory_space<vmem>>, vector<1000x128xf32>
    tpu.vector_store %arg12[%swap3A, %swap3A_61], %add3A_60 {strides = array<i32>} : memref<1000x128xf32, #tpu.memory_space<vmem>>, vector<1000x128xf32>,
    %get3A_63 = arith.constant 0 : index
    %get3A_64 = arith.constant 0 : index
    %get3A_65 = vector.load %arg8[%get3A_63, %get3A_64] : memref<1x128xf32, #tpu.memory_space<vmem>>, vector<1x128xf32>
    %get3A_66 = arith.constant 0 : index
    %get3A_67 = arith.constant 0 : index
    %get3A_68 = vector.load %arg9[%get3A_66, %get3A_67] : memref<1x128xf32, #tpu.memory_space<vmem>>, vector<1x128xf32>
    %reduce_sum3A_69 = arith.constant dense<0.000000e+00> : vector<1000xf32>
    %reduce_sum3A_70 = vector.multi_reduction <add>, %add3A_60, %reduce_sum3A_69 [1] : vector<1000x128xf32> to vector<1000xf32>
    %broadcast_in_dim3A_71 = vector.shape_cast %reduce_sum3A_70 : vector<1000xf32> to vector<1000x1xf32>
    %div3A_72 = arith.constant 1.280000e+02 : f32
    %div3A_73 = vector.broadcast %div3A_72 : f32 to vector<1000x1xf32>
    %div3A_74 = arith.divf %broadcast_in_dim3A_71, %div3A_73 : vector<1000x1xf32>
    %sub3A_75 = vector.broadcast %div3A_74 : vector<1000x1xf32> to vector<1000x128xf32>
    %sub3A_76 = arith.subf %add3A_60, %sub3A_75 : vector<1000x128xf32>
    %mul3A_77 = arith.mulf %sub3A_76, %sub3A_76 : vector<1000x128xf32>
    %reduce_sum3A_78 = arith.constant dense<0.000000e+00> : vector<1000xf32>
    %reduce_sum3A_79 = vector.multi_reduction <add>, %mul3A_77, %reduce_sum3A_78 [1] : vector<1000x128xf32> to vector<1000xf32>
    %broadcast_in_dim3A_80 = vector.shape_cast %reduce_sum3A_79 : vector<1000xf32> to vector<1000x1xf32>
    %div3A_81 = arith.constant 1.280000e+02 : f32
    %div3A_82 = vector.broadcast %div3A_81 : f32 to vector<1000x1xf32>
    %div3A_83 = arith.divf %broadcast_in_dim3A_80, %div3A_82 : vector<1000x1xf32>
    %add3A_84 = arith.constant 9.99999974E-6 : f32
    %add3A_85 = vector.broadcast %add3A_84 : f32 to vector<1000x1xf32>
    %add3A_86 = arith.addf %div3A_83, %add3A_85 : vector<1000x1xf32>
    %sqrt3A_87 = math.sqrt %add3A_86 : vector<1000x1xf32>
    %div3A_88 = vector.broadcast %sqrt3A_87 : vector<1000x1xf32> to vector<1000x128xf32>
    %div3A_89 = arith.divf %sub3A_76, %div3A_88 : vector<1000x128xf32>
    %mul3A_90 = vector.broadcast %get3A_65 : vector<1x128xf32> to vector<1000x128xf32>
    %mul3A_91 = arith.mulf %div3A_89, %mul3A_90 : vector<1000x128xf32>
    %add3A_92 = vector.broadcast %get3A_68 : vector<1x128xf32> to vector<1000x128xf32>
    %add3A_93 = arith.addf %mul3A_91, %add3A_92 : vector<1000x128xf32>
    %get3A_94 = arith.constant 0 : index
    %get3A_95 = arith.constant 0 : index
    %get3A_96 = vector.load %arg10[%get3A_94, %get3A_95] : memref<128x384xf32, #tpu.memory_space<vmem>>, vector<128x384xf32>
    %dot_general3A_97 = arith.constant dense<0.000000e+00> : vector<1000x384xf32>
    %dot_general3A_98 = tpu.matmul %add3A_93, %get3A_96, %dot_general3A_97 {dimension_numbers = #tpu.dot_dimension_numbers<[1], [0], [0], [1], [0, 0, 1, 1], [], []>, transpose_lhs_hint = false} : vector<1000x128xf32>, vector<128x384xf32>, vector<1000x384xf32> -> vector<1000x384xf32>
    %get3A_99 = arith.constant 0 : index
    %get3A_100 = arith.constant 0 : index
    %get3A_101 = vector.load %arg11[%get3A_99, %get3A_100] : memref<1x384xf32, #tpu.memory_space<vmem>>, vector<1x384xf32>
    %add3A_102 = vector.broadcast %get3A_101 : vector<1x384xf32> to vector<1000x384xf32>
    %add3A_103 = arith.addf %dot_general3A_98, %add3A_102 : vector<1000x384xf32>
    %slice3A = vector.extract_strided_slice %add3A_103 {offsets = [0, 0], sizes = [1000, 128], strides = [1, 1]} : vector<1000x384xf32> to vector<1000x128xf32>
    %mul3A_104 = arith.constant 2.500000e-01 : f32
    %mul3A_105 = vector.broadcast %mul3A_104 : f32 to vector<1000x128xf32>
    %mul3A_106 = arith.mulf %slice3A, %mul3A_105 : vector<1000x128xf32>
    %swap3A_107 = arith.constant 0 : index
    %swap3A_108 = arith.constant 0 : index
    %swap3A_109 = vector.load %arg13[%swap3A_107, %swap3A_108] : memref<1000x128xf32, #tpu.memory_space<vmem>>, vector<1000x128xf32>
    tpu.vector_store %arg13[%swap3A_107, %swap3A_108], %mul3A_106 {strides = array<i32>} : memref<1000x128xf32, #tpu.memory_space<vmem>>, vector<1000x128xf32>,
    %slice3A_110 = vector.extract_strided_slice %add3A_103 {offsets = [0, 128], sizes = [1000, 256], strides = [1, 1]} : vector<1000x384xf32> to vector<1000x256xf32>
    %swap3A_111 = arith.constant 0 : index
    %swap3A_112 = arith.constant 0 : index
    %swap3A_113 = vector.load %arg14[%swap3A_111, %swap3A_112] : memref<1000x256xf32, #tpu.memory_space<vmem>>, vector<1000x256xf32>
    tpu.vector_store %arg14[%swap3A_111, %swap3A_112], %slice3A_110 {strides = array<i32>} : memref<1000x256xf32, #tpu.memory_space<vmem>>, vector<1000x256xf32>,
    return
  }
  func.func @transform_0(%arg0: i32) -> (i32, i32) {
    %c0_i32 = arith.constant 0 : i32
    %c0_i32_0 = arith.constant 0 : i32
    return %arg0, %c0_i32 : i32, i32
  }
  func.func @transform_1(%arg0: i32) -> (i32, i32) {
    %c0_i32 = arith.constant 0 : i32
    %c0_i32_0 = arith.constant 0 : i32
    %c0_i32_1 = arith.constant 0 : i32
    return %c0_i32, %c0_i32_0 : i32, i32
  }
  func.func @transform_2(%arg0: i32) -> (i32, i32) {
    %c0_i32 = arith.constant 0 : i32
    %c0_i32_0 = arith.constant 0 : i32
    %c0_i32_1 = arith.constant 0 : i32
    return %c0_i32, %c0_i32_0 : i32, i32
  }
  func.func @transform_3(%arg0: i32) -> (i32, i32) {
    %c0_i32 = arith.constant 0 : i32
    %c0_i32_0 = arith.constant 0 : i32
    %c0_i32_1 = arith.constant 0 : i32
    return %c0_i32, %c0_i32_0 : i32, i32
  }
  func.func @transform_4(%arg0: i32) -> (i32, i32) {
    %c0_i32 = arith.constant 0 : i32
    %c0_i32_0 = arith.constant 0 : i32
    %c0_i32_1 = arith.constant 0 : i32
    return %c0_i32, %c0_i32_0 : i32, i32
  }
  func.func @transform_5(%arg0: i32) -> (i32, i32) {
    %c0_i32 = arith.constant 0 : i32
    %c0_i32_0 = arith.constant 0 : i32
    %c0_i32_1 = arith.constant 0 : i32
    return %c0_i32, %c0_i32_0 : i32, i32
  }
  func.func @transform_6(%arg0: i32) -> (i32, i32) {
    %c0_i32 = arith.constant 0 : i32
    %c0_i32_0 = arith.constant 0 : i32
    %c0_i32_1 = arith.constant 0 : i32
    return %c0_i32, %c0_i32_0 : i32, i32
  }
  func.func @transform_7(%arg0: i32) -> (i32, i32) {
    %c0_i32 = arith.constant 0 : i32
    %c0_i32_0 = arith.constant 0 : i32
    %c0_i32_1 = arith.constant 0 : i32
    return %c0_i32, %c0_i32_0 : i32, i32
  }
  func.func @transform_8(%arg0: i32) -> (i32, i32) {
    %c0_i32 = arith.constant 0 : i32
    %c0_i32_0 = arith.constant 0 : i32
    %c0_i32_1 = arith.constant 0 : i32
    return %c0_i32, %c0_i32_0 : i32, i32
  }
  func.func @transform_9(%arg0: i32) -> (i32, i32) {
    %c0_i32 = arith.constant 0 : i32
    %c0_i32_0 = arith.constant 0 : i32
    %c0_i32_1 = arith.constant 0 : i32
    return %c0_i32, %c0_i32_0 : i32, i32
  }
  func.func @transform_10(%arg0: i32) -> (i32, i32) {
    %c0_i32 = arith.constant 0 : i32
    %c0_i32_0 = arith.constant 0 : i32
    %c0_i32_1 = arith.constant 0 : i32
    return %c0_i32, %c0_i32_0 : i32, i32
  }
  func.func @transform_11(%arg0: i32) -> (i32, i32) {
    %c0_i32 = arith.constant 0 : i32
    %c0_i32_0 = arith.constant 0 : i32
    return %arg0, %c0_i32 : i32, i32
  }
  func.func @transform_12(%arg0: i32) -> (i32, i32) {
    %c0_i32 = arith.constant 0 : i32
    %c0_i32_0 = arith.constant 0 : i32
    return %arg0, %c0_i32 : i32, i32
  }
  func.func @transform_13(%arg0: i32) -> (i32, i32) {
    %c0_i32 = arith.constant 0 : i32
    %c0_i32_0 = arith.constant 0 : i32
    return %arg0, %c0_i32 : i32, i32
  }
}

module attributes {stable_mosaic.version = 14 : i64} {
  func.func @_attn2_body(%arg0: i32, %arg1: memref<16x200x256xf32, #tpu.memory_space<vmem>>, %arg2: memref<200x128xf32, #tpu.memory_space<vmem>>, %arg3: memref<1x16x200xi32, #tpu.memory_space<vmem>>, %arg4: memref<200x128xf32, #tpu.memory_space<vmem>>, %arg5: memref<48x384xf32, #tpu.memory_space<vmem>>, %arg6: memref<128x8xf32, #tpu.memory_space<vmem>>, %arg7: memref<8x128xf32, #tpu.memory_space<vmem>>, %arg8: memref<128x128xf32, #tpu.memory_space<vmem>>, %arg9: memref<1x128xf32, #tpu.memory_space<vmem>>, %arg10: memref<200x128xf32, #tpu.memory_space<vmem>>) attributes {dimension_semantics = [#tpu.dimension_semantics<arbitrary>], iteration_bounds = array<i64: 50>, scalar_prefetch = 0 : i64, scratch_operands = 0 : i64, tpu.core_type = #tpu.core_type<tc>, window_params = [{transform_indices = @transform_0, window_bounds = array<i64: 16, 200, 256>}, {transform_indices = @transform_1, window_bounds = array<i64: 200, 128>}, {transform_indices = @transform_2, window_bounds = array<i64: 1, 16, 200>}, {transform_indices = @transform_3, window_bounds = array<i64: 200, 128>}, {pipeline_mode = #tpu.pipeline_mode<synchronous>, transform_indices = @transform_4, window_bounds = array<i64: 48, 384>}, {pipeline_mode = #tpu.pipeline_mode<synchronous>, transform_indices = @transform_5, window_bounds = array<i64: 128, 8>}, {pipeline_mode = #tpu.pipeline_mode<synchronous>, transform_indices = @transform_6, window_bounds = array<i64: 8, 128>}, {pipeline_mode = #tpu.pipeline_mode<synchronous>, transform_indices = @transform_7, window_bounds = array<i64: 128, 128>}, {pipeline_mode = #tpu.pipeline_mode<synchronous>, transform_indices = @transform_8, window_bounds = array<i64: 1, 128>}, {transform_indices = @transform_9, window_bounds = array<i64: 200, 128>}]} {
    %get3A = arith.constant 0 : index
    %get3A_0 = arith.constant 0 : index
    %get3A_1 = arith.constant 0 : index
    %get3A_2 = vector.load %arg1[%get3A, %get3A_0, %get3A_1] : memref<16x200x256xf32, #tpu.memory_space<vmem>>, vector<16x200x256xf32>
    %get3A_3 = arith.constant 0 : index
    %get3A_4 = arith.constant 0 : index
    %get3A_5 = arith.constant 0 : index
    %get3A_6 = vector.load %arg3[%get3A_3, %get3A_4, %get3A_5] : memref<1x16x200xi32, #tpu.memory_space<vmem>>, vector<1x16x200xi32>
    %reshape3A = vector.shape_cast %get3A_6 : vector<1x16x200xi32> to vector<16x200x1xi32>
    %slice3A = vector.extract_strided_slice %get3A_2 {offsets = [0, 0, 0], sizes = [16, 200, 128], strides = [1, 1, 1]} : vector<16x200x256xf32> to vector<16x200x128xf32>
    %slice3A_7 = vector.extract_strided_slice %get3A_2 {offsets = [0, 0, 128], sizes = [16, 200, 128], strides = [1, 1, 1]} : vector<16x200x256xf32> to vector<16x200x128xf32>
    %get3A_8 = arith.constant 0 : index
    %get3A_9 = arith.constant 0 : index
    %get3A_10 = vector.load %arg2[%get3A_8, %get3A_9] : memref<200x128xf32, #tpu.memory_space<vmem>>, vector<200x128xf32>
    %get3A_11 = arith.constant 0 : index
    %get3A_12 = arith.constant 0 : index
    %get3A_13 = vector.load %arg4[%get3A_11, %get3A_12] : memref<200x128xf32, #tpu.memory_space<vmem>>, vector<200x128xf32>
    %iota3A = tpu.iota {dimensions = array<i32: 2>} : vector<16x200x48xi32>
    %and3A = arith.constant 15 : i32
    %and3A_14 = vector.broadcast %and3A : i32 to vector<16x200x1xi32>
    %and3A_15 = arith.andi %reshape3A, %and3A_14 : vector<16x200x1xi32>
    %eq3A = vector.broadcast %and3A_15 : vector<16x200x1xi32> to vector<16x200x48xi32>
    %eq3A_16 = arith.cmpi eq, %iota3A, %eq3A : vector<16x200x48xi32>
    %shift_right_arithmetic3A = arith.constant 4 : i32
    %shift_right_arithmetic3A_17 = vector.broadcast %shift_right_arithmetic3A : i32 to vector<16x200x1xi32>
    %shift_right_arithmetic3A_18 = arith.shrsi %reshape3A, %shift_right_arithmetic3A_17 : vector<16x200x1xi32>
    %and3A_19 = arith.constant 15 : i32
    %and3A_20 = vector.broadcast %and3A_19 : i32 to vector<16x200x1xi32>
    %and3A_21 = arith.andi %shift_right_arithmetic3A_18, %and3A_20 : vector<16x200x1xi32>
    %add3A = arith.constant 16 : i32
    %add3A_22 = vector.broadcast %add3A : i32 to vector<16x200x1xi32>
    %add3A_23 = arith.addi %and3A_21, %add3A_22 : vector<16x200x1xi32>
    %eq3A_24 = vector.broadcast %add3A_23 : vector<16x200x1xi32> to vector<16x200x48xi32>
    %eq3A_25 = arith.cmpi eq, %iota3A, %eq3A_24 : vector<16x200x48xi32>
    %or3A = arith.ori %eq3A_16, %eq3A_25 : vector<16x200x48xi1>
    %shift_right_arithmetic3A_26 = arith.constant 8 : i32
    %shift_right_arithmetic3A_27 = vector.broadcast %shift_right_arithmetic3A_26 : i32 to vector<16x200x1xi32>
    %shift_right_arithmetic3A_28 = arith.shrsi %reshape3A, %shift_right_arithmetic3A_27 : vector<16x200x1xi32>
    %add3A_29 = arith.constant 32 : i32
    %add3A_30 = vector.broadcast %add3A_29 : i32 to vector<16x200x1xi32>
    %add3A_31 = arith.addi %shift_right_arithmetic3A_28, %add3A_30 : vector<16x200x1xi32>
    %eq3A_32 = vector.broadcast %add3A_31 : vector<16x200x1xi32> to vector<16x200x48xi32>
    %eq3A_33 = arith.cmpi eq, %iota3A, %eq3A_32 : vector<16x200x48xi32>
    %or3A_34 = arith.ori %or3A, %eq3A_33 : vector<16x200x48xi1>
    %convert_element_type3A = arith.extui %or3A_34 : vector<16x200x48xi1> to vector<16x200x48xi32>
    %convert_element_type3A_35 = arith.sitofp %convert_element_type3A : vector<16x200x48xi32> to vector<16x200x48xf32>
    %reshape3A_36 = vector.shape_cast %convert_element_type3A_35 : vector<16x200x48xf32> to vector<3200x48xf32>
    %get3A_37 = arith.constant 0 : index
    %get3A_38 = arith.constant 0 : index
    %get3A_39 = vector.load %arg5[%get3A_37, %get3A_38] : memref<48x384xf32, #tpu.memory_space<vmem>>, vector<48x384xf32>
    %dot_general3A = arith.constant dense<0.000000e+00> : vector<3200x384xf32>
    %dot_general3A_40 = tpu.matmul %reshape3A_36, %get3A_39, %dot_general3A {dimension_numbers = #tpu.dot_dimension_numbers<[1], [0], [0], [1], [0, 0, 1, 1], [], []>, transpose_lhs_hint = false} : vector<3200x48xf32>, vector<48x384xf32>, vector<3200x384xf32> -> vector<3200x384xf32>
    %reshape3A_41 = vector.shape_cast %dot_general3A_40 : vector<3200x384xf32> to vector<16x200x384xf32>
    %broadcast_in_dim3A = vector.shape_cast %get3A_10 : vector<200x128xf32> to vector<1x200x128xf32>
    %slice3A_42 = vector.extract_strided_slice %reshape3A_41 {offsets = [0, 0, 0], sizes = [16, 200, 128], strides = [1, 1, 1]} : vector<16x200x384xf32> to vector<16x200x128xf32>
    %add3A_43 = arith.addf %slice3A, %slice3A_42 : vector<16x200x128xf32>
    %mul3A = vector.broadcast %broadcast_in_dim3A : vector<1x200x128xf32> to vector<16x200x128xf32>
    %mul3A_44 = arith.mulf %mul3A, %add3A_43 : vector<16x200x128xf32>
    %slice3A_45 = vector.extract_strided_slice %reshape3A_41 {offsets = [0, 0, 128], sizes = [16, 200, 128], strides = [1, 1, 1]} : vector<16x200x384xf32> to vector<16x200x128xf32>
    %mul3A_46 = arith.mulf %slice3A, %slice3A_45 : vector<16x200x128xf32>
    %add3A_47 = arith.addf %mul3A_44, %mul3A_46 : vector<16x200x128xf32>
    %reshape3A_48 = vector.shape_cast %add3A_47 : vector<16x200x128xf32> to vector<3200x128xf32>
    %get3A_49 = arith.constant 0 : index
    %get3A_50 = arith.constant 0 : index
    %get3A_51 = vector.load %arg6[%get3A_49, %get3A_50] : memref<128x8xf32, #tpu.memory_space<vmem>>, vector<128x8xf32>
    %dot_general3A_52 = arith.constant dense<0.000000e+00> : vector<3200x8xf32>
    %dot_general3A_53 = tpu.matmul %reshape3A_48, %get3A_51, %dot_general3A_52 {dimension_numbers = #tpu.dot_dimension_numbers<[1], [0], [0], [1], [0, 0, 1, 1], [], []>, transpose_lhs_hint = false} : vector<3200x128xf32>, vector<128x8xf32>, vector<3200x8xf32> -> vector<3200x8xf32>
    %reshape3A_54 = vector.shape_cast %dot_general3A_53 : vector<3200x8xf32> to vector<16x200x8xf32>
    %reduce_max3A = arith.constant dense<0xFF800000> : vector<200x8xf32>
    %reduce_max3A_55 = vector.multi_reduction <maximumf>, %reshape3A_54, %reduce_max3A [0] : vector<16x200x8xf32> to vector<200x8xf32>
    %broadcast_in_dim3A_56 = vector.shape_cast %reduce_max3A_55 : vector<200x8xf32> to vector<1x200x8xf32>
    %sub3A = vector.broadcast %broadcast_in_dim3A_56 : vector<1x200x8xf32> to vector<16x200x8xf32>
    %sub3A_57 = arith.subf %reshape3A_54, %sub3A : vector<16x200x8xf32>
    %exp3A = math.exp %sub3A_57 : vector<16x200x8xf32>
    %reduce_sum3A = arith.constant dense<0.000000e+00> : vector<200x8xf32>
    %reduce_sum3A_58 = vector.multi_reduction <add>, %exp3A, %reduce_sum3A [0] : vector<16x200x8xf32> to vector<200x8xf32>
    %broadcast_in_dim3A_59 = vector.shape_cast %reduce_sum3A_58 : vector<200x8xf32> to vector<1x200x8xf32>
    %div3A = vector.broadcast %broadcast_in_dim3A_59 : vector<1x200x8xf32> to vector<16x200x8xf32>
    %div3A_60 = arith.divf %exp3A, %div3A : vector<16x200x8xf32>
    %reshape3A_61 = vector.shape_cast %div3A_60 : vector<16x200x8xf32> to vector<3200x8xf32>
    %get3A_62 = arith.constant 0 : index
    %get3A_63 = arith.constant 0 : index
    %get3A_64 = vector.load %arg7[%get3A_62, %get3A_63] : memref<8x128xf32, #tpu.memory_space<vmem>>, vector<8x128xf32>
    %dot_general3A_65 = arith.constant dense<0.000000e+00> : vector<3200x128xf32>
    %dot_general3A_66 = tpu.matmul %reshape3A_61, %get3A_64, %dot_general3A_65 {dimension_numbers = #tpu.dot_dimension_numbers<[1], [0], [0], [1], [0, 0, 1, 1], [], []>, transpose_lhs_hint = false} : vector<3200x8xf32>, vector<8x128xf32>, vector<3200x128xf32> -> vector<3200x128xf32>
    %reshape3A_67 = vector.shape_cast %dot_general3A_66 : vector<3200x128xf32> to vector<16x200x128xf32>
    %slice3A_68 = vector.extract_strided_slice %reshape3A_41 {offsets = [0, 0, 256], sizes = [16, 200, 128], strides = [1, 1, 1]} : vector<16x200x384xf32> to vector<16x200x128xf32>
    %add3A_69 = arith.addf %slice3A_7, %slice3A_68 : vector<16x200x128xf32>
    %mul3A_70 = arith.mulf %reshape3A_67, %add3A_69 : vector<16x200x128xf32>
    %reduce_sum3A_71 = arith.constant dense<0.000000e+00> : vector<200x128xf32>
    %reduce_sum3A_72 = vector.multi_reduction <add>, %mul3A_70, %reduce_sum3A_71 [0] : vector<16x200x128xf32> to vector<200x128xf32>
    %get3A_73 = arith.constant 0 : index
    %get3A_74 = arith.constant 0 : index
    %get3A_75 = vector.load %arg8[%get3A_73, %get3A_74] : memref<128x128xf32, #tpu.memory_space<vmem>>, vector<128x128xf32>
    %dot_general3A_76 = arith.constant dense<0.000000e+00> : vector<200x128xf32>
    %dot_general3A_77 = tpu.matmul %reduce_sum3A_72, %get3A_75, %dot_general3A_76 {dimension_numbers = #tpu.dot_dimension_numbers<[1], [0], [0], [1], [0, 0, 1, 1], [], []>, transpose_lhs_hint = false} : vector<200x128xf32>, vector<128x128xf32>, vector<200x128xf32> -> vector<200x128xf32>
    %get3A_78 = arith.constant 0 : index
    %get3A_79 = arith.constant 0 : index
    %get3A_80 = vector.load %arg9[%get3A_78, %get3A_79] : memref<1x128xf32, #tpu.memory_space<vmem>>, vector<1x128xf32>
    %add3A_81 = vector.broadcast %get3A_80 : vector<1x128xf32> to vector<200x128xf32>
    %add3A_82 = arith.addf %dot_general3A_77, %add3A_81 : vector<200x128xf32>
    %add3A_83 = arith.addf %add3A_82, %get3A_13 : vector<200x128xf32>
    %swap3A = arith.constant 0 : index
    %swap3A_84 = arith.constant 0 : index
    %swap3A_85 = vector.load %arg10[%swap3A, %swap3A_84] : memref<200x128xf32, #tpu.memory_space<vmem>>, vector<200x128xf32>
    tpu.vector_store %arg10[%swap3A, %swap3A_84], %add3A_83 {strides = array<i32>} : memref<200x128xf32, #tpu.memory_space<vmem>>, vector<200x128xf32>,
    return
  }
  func.func @transform_0(%arg0: i32) -> (i32, i32, i32) {
    %c0_i32 = arith.constant 0 : i32
    %c0_i32_0 = arith.constant 0 : i32
    %c0_i32_1 = arith.constant 0 : i32
    return %c0_i32, %arg0, %c0_i32_0 : i32, i32, i32
  }
  func.func @transform_1(%arg0: i32) -> (i32, i32) {
    %c0_i32 = arith.constant 0 : i32
    %c0_i32_0 = arith.constant 0 : i32
    return %arg0, %c0_i32 : i32, i32
  }
  func.func @transform_2(%arg0: i32) -> (i32, i32, i32) {
    %c0_i32 = arith.constant 0 : i32
    %c0_i32_0 = arith.constant 0 : i32
    %c0_i32_1 = arith.constant 0 : i32
    return %arg0, %c0_i32, %c0_i32_0 : i32, i32, i32
  }
  func.func @transform_3(%arg0: i32) -> (i32, i32) {
    %c0_i32 = arith.constant 0 : i32
    %c0_i32_0 = arith.constant 0 : i32
    return %arg0, %c0_i32 : i32, i32
  }
  func.func @transform_4(%arg0: i32) -> (i32, i32) {
    %c0_i32 = arith.constant 0 : i32
    %c0_i32_0 = arith.constant 0 : i32
    %c0_i32_1 = arith.constant 0 : i32
    return %c0_i32, %c0_i32_0 : i32, i32
  }
  func.func @transform_5(%arg0: i32) -> (i32, i32) {
    %c0_i32 = arith.constant 0 : i32
    %c0_i32_0 = arith.constant 0 : i32
    %c0_i32_1 = arith.constant 0 : i32
    return %c0_i32, %c0_i32_0 : i32, i32
  }
  func.func @transform_6(%arg0: i32) -> (i32, i32) {
    %c0_i32 = arith.constant 0 : i32
    %c0_i32_0 = arith.constant 0 : i32
    %c0_i32_1 = arith.constant 0 : i32
    return %c0_i32, %c0_i32_0 : i32, i32
  }
  func.func @transform_7(%arg0: i32) -> (i32, i32) {
    %c0_i32 = arith.constant 0 : i32
    %c0_i32_0 = arith.constant 0 : i32
    %c0_i32_1 = arith.constant 0 : i32
    return %c0_i32, %c0_i32_0 : i32, i32
  }
  func.func @transform_8(%arg0: i32) -> (i32, i32) {
    %c0_i32 = arith.constant 0 : i32
    %c0_i32_0 = arith.constant 0 : i32
    %c0_i32_1 = arith.constant 0 : i32
    return %c0_i32, %c0_i32_0 : i32, i32
  }
  func.func @transform_9(%arg0: i32) -> (i32, i32) {
    %c0_i32 = arith.constant 0 : i32
    %c0_i32_0 = arith.constant 0 : i32
    return %arg0, %c0_i32 : i32, i32
  }
}

module attributes {stable_mosaic.version = 14 : i64} {
  func.func @_mlp_body(%arg0: i32, %arg1: memref<1000x128xf32, #tpu.memory_space<vmem>>, %arg2: memref<1x128xf32, #tpu.memory_space<vmem>>, %arg3: memref<1x128xf32, #tpu.memory_space<vmem>>, %arg4: memref<128x512xf32, #tpu.memory_space<vmem>>, %arg5: memref<1x512xf32, #tpu.memory_space<vmem>>, %arg6: memref<512x128xf32, #tpu.memory_space<vmem>>, %arg7: memref<1x128xf32, #tpu.memory_space<vmem>>, %arg8: memref<1000x128xf32, #tpu.memory_space<vmem>>) attributes {dimension_semantics = [#tpu.dimension_semantics<arbitrary>], iteration_bounds = array<i64: 10>, scalar_prefetch = 0 : i64, scratch_operands = 0 : i64, tpu.core_type = #tpu.core_type<tc>, window_params = [{transform_indices = @transform_0, window_bounds = array<i64: 1000, 128>}, {pipeline_mode = #tpu.pipeline_mode<synchronous>, transform_indices = @transform_1, window_bounds = array<i64: 1, 128>}, {pipeline_mode = #tpu.pipeline_mode<synchronous>, transform_indices = @transform_2, window_bounds = array<i64: 1, 128>}, {pipeline_mode = #tpu.pipeline_mode<synchronous>, transform_indices = @transform_3, window_bounds = array<i64: 128, 512>}, {pipeline_mode = #tpu.pipeline_mode<synchronous>, transform_indices = @transform_4, window_bounds = array<i64: 1, 512>}, {pipeline_mode = #tpu.pipeline_mode<synchronous>, transform_indices = @transform_5, window_bounds = array<i64: 512, 128>}, {pipeline_mode = #tpu.pipeline_mode<synchronous>, transform_indices = @transform_6, window_bounds = array<i64: 1, 128>}, {transform_indices = @transform_7, window_bounds = array<i64: 1000, 128>}]} {
    %get3A = arith.constant 0 : index
    %get3A_0 = arith.constant 0 : index
    %get3A_1 = vector.load %arg1[%get3A, %get3A_0] : memref<1000x128xf32, #tpu.memory_space<vmem>>, vector<1000x128xf32>
    %get3A_2 = arith.constant 0 : index
    %get3A_3 = arith.constant 0 : index
    %get3A_4 = vector.load %arg2[%get3A_2, %get3A_3] : memref<1x128xf32, #tpu.memory_space<vmem>>, vector<1x128xf32>
    %get3A_5 = arith.constant 0 : index
    %get3A_6 = arith.constant 0 : index
    %get3A_7 = vector.load %arg3[%get3A_5, %get3A_6] : memref<1x128xf32, #tpu.memory_space<vmem>>, vector<1x128xf32>
    %reduce_sum3A = arith.constant dense<0.000000e+00> : vector<1000xf32>
    %reduce_sum3A_8 = vector.multi_reduction <add>, %get3A_1, %reduce_sum3A [1] : vector<1000x128xf32> to vector<1000xf32>
    %broadcast_in_dim3A = vector.shape_cast %reduce_sum3A_8 : vector<1000xf32> to vector<1000x1xf32>
    %div3A = arith.constant 1.280000e+02 : f32
    %div3A_9 = vector.broadcast %div3A : f32 to vector<1000x1xf32>
    %div3A_10 = arith.divf %broadcast_in_dim3A, %div3A_9 : vector<1000x1xf32>
    %sub3A = vector.broadcast %div3A_10 : vector<1000x1xf32> to vector<1000x128xf32>
    %sub3A_11 = arith.subf %get3A_1, %sub3A : vector<1000x128xf32>
    %mul3A = arith.mulf %sub3A_11, %sub3A_11 : vector<1000x128xf32>
    %reduce_sum3A_12 = arith.constant dense<0.000000e+00> : vector<1000xf32>
    %reduce_sum3A_13 = vector.multi_reduction <add>, %mul3A, %reduce_sum3A_12 [1] : vector<1000x128xf32> to vector<1000xf32>
    %broadcast_in_dim3A_14 = vector.shape_cast %reduce_sum3A_13 : vector<1000xf32> to vector<1000x1xf32>
    %div3A_15 = arith.constant 1.280000e+02 : f32
    %div3A_16 = vector.broadcast %div3A_15 : f32 to vector<1000x1xf32>
    %div3A_17 = arith.divf %broadcast_in_dim3A_14, %div3A_16 : vector<1000x1xf32>
    %add3A = arith.constant 9.99999974E-6 : f32
    %add3A_18 = vector.broadcast %add3A : f32 to vector<1000x1xf32>
    %add3A_19 = arith.addf %div3A_17, %add3A_18 : vector<1000x1xf32>
    %sqrt3A = math.sqrt %add3A_19 : vector<1000x1xf32>
    %div3A_20 = vector.broadcast %sqrt3A : vector<1000x1xf32> to vector<1000x128xf32>
    %div3A_21 = arith.divf %sub3A_11, %div3A_20 : vector<1000x128xf32>
    %mul3A_22 = vector.broadcast %get3A_4 : vector<1x128xf32> to vector<1000x128xf32>
    %mul3A_23 = arith.mulf %div3A_21, %mul3A_22 : vector<1000x128xf32>
    %add3A_24 = vector.broadcast %get3A_7 : vector<1x128xf32> to vector<1000x128xf32>
    %add3A_25 = arith.addf %mul3A_23, %add3A_24 : vector<1000x128xf32>
    %get3A_26 = arith.constant 0 : index
    %get3A_27 = arith.constant 0 : index
    %get3A_28 = vector.load %arg4[%get3A_26, %get3A_27] : memref<128x512xf32, #tpu.memory_space<vmem>>, vector<128x512xf32>
    %dot_general3A = arith.constant dense<0.000000e+00> : vector<1000x512xf32>
    %dot_general3A_29 = tpu.matmul %add3A_25, %get3A_28, %dot_general3A {dimension_numbers = #tpu.dot_dimension_numbers<[1], [0], [0], [1], [0, 0, 1, 1], [], []>, transpose_lhs_hint = false} : vector<1000x128xf32>, vector<128x512xf32>, vector<1000x512xf32> -> vector<1000x512xf32>
    %get3A_30 = arith.constant 0 : index
    %get3A_31 = arith.constant 0 : index
    %get3A_32 = vector.load %arg5[%get3A_30, %get3A_31] : memref<1x512xf32, #tpu.memory_space<vmem>>, vector<1x512xf32>
    %add3A_33 = vector.broadcast %get3A_32 : vector<1x512xf32> to vector<1000x512xf32>
    %add3A_34 = arith.addf %dot_general3A_29, %add3A_33 : vector<1000x512xf32>
    %integer_pow3A = arith.mulf %add3A_34, %add3A_34 : vector<1000x512xf32>
    %integer_pow3A_35 = arith.mulf %add3A_34, %integer_pow3A : vector<1000x512xf32>
    %mul3A_36 = arith.constant 4.471500e-02 : f32
    %mul3A_37 = vector.broadcast %mul3A_36 : f32 to vector<1000x512xf32>
    %mul3A_38 = arith.mulf %mul3A_37, %integer_pow3A_35 : vector<1000x512xf32>
    %add3A_39 = arith.addf %add3A_34, %mul3A_38 : vector<1000x512xf32>
    %mul3A_40 = arith.constant 0.797884583 : f32
    %mul3A_41 = vector.broadcast %mul3A_40 : f32 to vector<1000x512xf32>
    %mul3A_42 = arith.mulf %mul3A_41, %add3A_39 : vector<1000x512xf32>
    %tanh3A = math.tanh %mul3A_42 : vector<1000x512xf32>
    %add3A_43 = arith.constant 1.000000e+00 : f32
    %add3A_44 = vector.broadcast %add3A_43 : f32 to vector<1000x512xf32>
    %add3A_45 = arith.addf %add3A_44, %tanh3A : vector<1000x512xf32>
    %mul3A_46 = arith.constant 5.000000e-01 : f32
    %mul3A_47 = vector.broadcast %mul3A_46 : f32 to vector<1000x512xf32>
    %mul3A_48 = arith.mulf %mul3A_47, %add3A_45 : vector<1000x512xf32>
    %mul3A_49 = arith.mulf %add3A_34, %mul3A_48 : vector<1000x512xf32>
    %get3A_50 = arith.constant 0 : index
    %get3A_51 = arith.constant 0 : index
    %get3A_52 = vector.load %arg6[%get3A_50, %get3A_51] : memref<512x128xf32, #tpu.memory_space<vmem>>, vector<512x128xf32>
    %dot_general3A_53 = arith.constant dense<0.000000e+00> : vector<1000x128xf32>
    %dot_general3A_54 = tpu.matmul %mul3A_49, %get3A_52, %dot_general3A_53 {dimension_numbers = #tpu.dot_dimension_numbers<[1], [0], [0], [1], [0, 0, 1, 1], [], []>, transpose_lhs_hint = false} : vector<1000x512xf32>, vector<512x128xf32>, vector<1000x128xf32> -> vector<1000x128xf32>
    %add3A_55 = arith.addf %get3A_1, %dot_general3A_54 : vector<1000x128xf32>
    %get3A_56 = arith.constant 0 : index
    %get3A_57 = arith.constant 0 : index
    %get3A_58 = vector.load %arg7[%get3A_56, %get3A_57] : memref<1x128xf32, #tpu.memory_space<vmem>>, vector<1x128xf32>
    %add3A_59 = vector.broadcast %get3A_58 : vector<1x128xf32> to vector<1000x128xf32>
    %add3A_60 = arith.addf %add3A_55, %add3A_59 : vector<1000x128xf32>
    %swap3A = arith.constant 0 : index
    %swap3A_61 = arith.constant 0 : index
    %swap3A_62 = vector.load %arg8[%swap3A, %swap3A_61] : memref<1000x128xf32, #tpu.memory_space<vmem>>, vector<1000x128xf32>
    tpu.vector_store %arg8[%swap3A, %swap3A_61], %add3A_60 {strides = array<i32>} : memref<1000x128xf32, #tpu.memory_space<vmem>>, vector<1000x128xf32>,
    return
  }
  func.func @transform_0(%arg0: i32) -> (i32, i32) {
    %c0_i32 = arith.constant 0 : i32
    %c0_i32_0 = arith.constant 0 : i32
    return %arg0, %c0_i32 : i32, i32
  }
  func.func @transform_1(%arg0: i32) -> (i32, i32) {
    %c0_i32 = arith.constant 0 : i32
    %c0_i32_0 = arith.constant 0 : i32
    %c0_i32_1 = arith.constant 0 : i32
    return %c0_i32, %c0_i32_0 : i32, i32
  }
  func.func @transform_2(%arg0: i32) -> (i32, i32) {
    %c0_i32 = arith.constant 0 : i32
    %c0_i32_0 = arith.constant 0 : i32
    %c0_i32_1 = arith.constant 0 : i32
    return %c0_i32, %c0_i32_0 : i32, i32
  }
  func.func @transform_3(%arg0: i32) -> (i32, i32) {
    %c0_i32 = arith.constant 0 : i32
    %c0_i32_0 = arith.constant 0 : i32
    %c0_i32_1 = arith.constant 0 : i32
    return %c0_i32, %c0_i32_0 : i32, i32
  }
  func.func @transform_4(%arg0: i32) -> (i32, i32) {
    %c0_i32 = arith.constant 0 : i32
    %c0_i32_0 = arith.constant 0 : i32
    %c0_i32_1 = arith.constant 0 : i32
    return %c0_i32, %c0_i32_0 : i32, i32
  }
  func.func @transform_5(%arg0: i32) -> (i32, i32) {
    %c0_i32 = arith.constant 0 : i32
    %c0_i32_0 = arith.constant 0 : i32
    %c0_i32_1 = arith.constant 0 : i32
    return %c0_i32, %c0_i32_0 : i32, i32
  }
  func.func @transform_6(%arg0: i32) -> (i32, i32) {
    %c0_i32 = arith.constant 0 : i32
    %c0_i32_0 = arith.constant 0 : i32
    %c0_i32_1 = arith.constant 0 : i32
    return %c0_i32, %c0_i32_0 : i32, i32
  }
  func.func @transform_7(%arg0: i32) -> (i32, i32) {
    %c0_i32 = arith.constant 0 : i32
    %c0_i32_0 = arith.constant 0 : i32
    return %arg0, %c0_i32 : i32, i32
  }
}

</mosaic_0001>

<sc_bundles>
// kernel: kernel.12.cloned.1.call-start
scs
__scs_entry_jumppad:
0x0: {  	(pc) =	sbr.rel $0x88, $3  }
0x1: {  	(tag) =	ssettag $0x0;
	lr =	simm.s32 $0x1  }
0x2: {  	[smem:$0x3F80] =	sst lr;
	_ =	strace $0xD0000000  }
0x3: {  	_ = 	snop  }
0x4: {  	_ = 	snop  }
0x5: {  	_ = 	snop  }
0x6: {  	_ = 	snop  }
0x7: {  	_ = 	snop  }
__scs_overlays_trampoline_lowered:
0x8: {  	[smem:$0x3F8F] =	sst s0  }
0x9: {  	[smem:$0x3F90] =	sst s1  }
0xa: {  	[smem:$0x3F91] =	sst s2  }
0xb: {  	[smem:$0x3F92] =	sst s3  }
0xc: {  	[smem:$0x3F93] =	sst s4  }
0xd: {  	[smem:$0x3F94] =	sst s5  }
0xe: {  	[smem:$0x3F95] =	sst s6  }
0xf: {  	[smem:$0x3F96] =	sst s7  }
0x10: {  	[smem:$0x3F97] =	sst s8  }
0x11: {  	[smem:$0x3F98] =	sst s9;
	s0 =	simm.s32 @!p0 $0x0  }
0x12: {  	s1 =	sld [smem:$0x3F7E];
	s0 =	simm.s32 @p0 $0x1  }
0x13: {  	[smem:$0x3F99] =	sst s0;
	s0 =	simm.s32 @!p1 $0x0  }
0x14: {  	s2 =	sld [smem:$0x3F7D];
	s0 =	simm.s32 @p1 $0x1  }
0x15: {  	[smem:$0x3F9A] =	sst s0;
	s0 =	simm.s32 @!p2 $0x0  }
0x16: {  	s3 =	sld [smem:$0x3FDB];
	s0 =	simm.s32 @p2 $0x1  }
0x17: {  	s4 =	simm.s32 $0x1BF5;
	[smem:$0x3F9C] =	sst s0  }
0x18: {  	s0 =	sld [smem:$0x3F7F];
	_ =	swait.ge [sflag:s4], $0x0  }
0x19: {  	s7 =	sld [smem:$0x3F80]  }
0x1a: {  	s8 =	sadd.s32 $0xFFFFE003, lr  }
0x1b: {  	s9 =	sadd.s32 $0xFFFFFEF7, lr;
	s5 =	simm.s32 $0xFFFFFFFF;
	p2 =	slt.u32 s8, $0xFFFFF086  }
0x1c: {  	p1 =	slt.u32 s9, $0xF7A;
	s5 =	simm.s32 @!p2 $0x0  }
0x1d: {  	s5 =	simm.s32 @p1 $0x1;
	p0 =	seq.s32 s7, s2  }
0x1e: {  	s7 =	smul.u32 @!p0 $0xF7A, s2;
	p2 =	seq.s32 @!p0 s5, $0x0  }
0x1f: {  	s9 =	smul.u32 $0xF7A, s1;
	s8 =	simm.s32 @!p0 $0x1BF5;
	p2 =	por !p2, p0  }
0x20: {  	[sflag:s8] =	ssyncset.s32 @!p0 $0xFFFFF086;
	s6 =	sadd.s32 @!p0 s3, s7;
	s7 =	simm.s32 @!p0 $0x108  }
0x21: {  	s3 =	sadd.s32 s3, s9;
	s6 =	sadd.s32 @!p0 $0x88, s6;
	s7 =	simm.s32 @p2 $0x1082  }
0x22: {  	[simem:s7], [sflag:s8] =	dma.local @!p0 [hbm:s6], $0xF7A  }
0x23: {  	s9 =	sor.u32 $0xD0000000, s2;
	s6 =	simm.s32 $0x108;
	_ =	swait.ge @!p0 [sflag:s8], $0x0  }
0x24: {  	s3 =	sadd.s32 $0x88, s3;
	s6 =	simm.s32 @!p1 $0x1082;
	[sflag:s4] =	ssyncset.s32 $0xFFFFF086  }
0x25: {  	[simem:s6], [sflag:s4] =	dma.local [hbm:s3], $0xF7A  }
0x26: {  	[smem:$0x3F80] =	sst s1;
	(tag) =	ssettag s2;
	_ =	strace s9  }
0x27: {  	s1 =	sld [smem:$0x3F90]  }
0x28: {  	s2 =	sld [smem:$0x3F91]  }
0x29: {  	s4 =	sld [smem:$0x3F93]  }
0x2a: {  	p0 =	seq.s32 s5, $0x0;
	s5 =	sld [smem:$0x3F94]  }
0x2b: {  	s6 =	sld [smem:$0x3F95]  }
0x2c: {  	s7 =	sld [smem:$0x3F96]  }
0x2d: {  	s3 =	simm.s32 $0x108;
	s8 =	sld [smem:$0x3F97]  }
0x2e: {  	s3 =	simm.s32 @!p0 $0x1082;
	s9 =	sld [smem:$0x3F98]  }
0x2f: {  	lr =	sadd.s32 s0, s3;
	s0 =	sld [smem:$0x3F8F]  }
0x30: {  	s3 =	sld [smem:$0x3F92]  }
0x31: {  	[smem:$0x3F9B] =	sst s10  }
0x32: {  	s10 =	sld [smem:$0x3F99];
	_ =	sdelay $0x3  }
0x33: {  	p0 =	seq.s32 s10, $0x1;
	s10 =	sld [smem:$0x3F9B];
	_ =	sdelay $0x3  }
0x34: {  	[smem:$0x3F9B] =	sst s10  }
0x35: {  	s10 =	sld [smem:$0x3F9A];
	_ =	sdelay $0x3  }
0x36: {  	p1 =	seq.s32 s10, $0x1;
	s10 =	sld [smem:$0x3F9B];
	_ =	sdelay $0x3  }
0x37: {  	[smem:$0x3F9B] =	sst s10  }
0x38: {  	s10 =	sld [smem:$0x3F9C]  }
0x39: {  	_ = 	snop;
	(pc) =	sbr.ind lr, $3  }
0x3a: {  	_ = 	snop  }
0x3b: {  	_ = 	snop  }
0x3c: {  	p2 =	seq.s32 s10, $0x1;
	s10 =	sld [smem:$0x3F9B]  }
0x3d: {  	_ =	shalt  }
0x3e: {  	_ =	shalt  }
0x3f: {  	_ =	shalt  }
0x40: {  	_ =	shalt  }
0x41: {  	_ =	shalt  }
0x42: {  	_ =	shalt  }
0x43: {  	_ =	shalt  }
0x44: {  	_ =	shalt  }
0x45: {  	_ =	shalt  }
0x46: {  	_ =	shalt  }
0x47: {  	_ =	shalt  }
0x48: {  	_ =	shalt  }
0x49: {  	_ =	shalt  }
0x4a: {  	_ =	shalt  }
0x4b: {  	_ =	shalt  }
0x4c: {  	_ =	shalt  }
0x4d: {  	_ =	shalt  }
0x4e: {  	_ =	shalt  }
0x4f: {  	_ =	shalt  }
0x50: {  	_ =	shalt  }
0x51: {  	_ =	shalt  }
0x52: {  	_ =	shalt  }
0x53: {  	_ =	shalt  }
0x54: {  	_ =	shalt  }
0x55: {  	_ =	shalt  }
0x56: {  	_ =	shalt  }
0x57: {  	_ =	shalt  }
0x58: {  	_ =	shalt  }
0x59: {  	_ =	shalt  }
0x5a: {  	_ =	shalt  }
0x5b: {  	_ =	shalt  }
0x5c: {  	_ =	shalt  }
0x5d: {  	_ =	shalt  }
0x5e: {  	_ =	shalt  }
0x5f: {  	_ =	shalt  }
0x60: {  	_ =	shalt  }
0x61: {  	_ =	shalt  }
0x62: {  	_ =	shalt  }
0x63: {  	_ =	shalt  }
0x64: {  	_ =	shalt  }
0x65: {  	_ =	shalt  }
0x66: {  	_ =	shalt  }
0x67: {  	_ =	shalt  }
0x68: {  	_ =	shalt  }
0x69: {  	_ =	shalt  }
0x6a: {  	_ =	shalt  }
0x6b: {  	_ =	shalt  }
0x6c: {  	_ =	shalt  }
0x6d: {  	_ =	shalt  }
0x6e: {  	_ =	shalt  }
0x6f: {  	_ =	shalt  }
0x70: {  	_ =	shalt  }
0x71: {  	_ =	shalt  }
0x72: {  	_ =	shalt  }
0x73: {  	_ =	shalt  }
0x74: {  	_ =	shalt  }
0x75: {  	_ =	shalt  }
0x76: {  	_ =	shalt  }
0x77: {  	_ =	shalt  }
0x78: {  	_ =	shalt  }
0x79: {  	_ =	shalt  }
0x7a: {  	_ =	shalt  }
0x7b: {  	_ =	shalt  }
0x7c: {  	_ =	shalt  }
0x7d: {  	_ =	shalt  }
0x7e: {  	_ =	shalt  }
0x7f: {  	_ =	shalt  }
0x80: {  	_ =	shalt  }
0x81: {  	_ =	shalt  }
0x82: {  	_ =	shalt  }
0x83: {  	_ =	shalt  }
0x84: {  	_ =	shalt  }
0x85: {  	_ =	shalt  }
0x86: {  	_ =	shalt  }
0x87: {  	_ =	shalt  }
.Lfunc_end0:
.L_simem_size_0:
called_computation.1_lowered:
.L_overlay_start_0:
0x88: {  	s2 =	sld [smem:$0x3FD9]  }
0x89: {  	s3 =	sld [smem:$0x3FFE];
	_ =	sdelay $0x1  }
0x8a: {  	s1 =	srdreg.scid  }
0x8b: {  	s0 =	sand.u32 $0x1, s1  }
0x8c: {  	s16 =	sshll.u32 s0, $0xA;
	s2 =	sadd.s32 s3, s2  }
0x8d: {  	s2 =	sadd.s32 s2, s16  }
0x8e: {  	[smem:$0x3FA7] =	sst s2  }
0x8f: {  	_ = 	snop  }
0x90: {  	(tm) =	ssettm $0x1  }
0x91: {  	s17 =	sld [smem:$0x3FFB];
	_ =	sdelay $0x3  }
0x92: {  	_ =	strace s17  }
0x93: {  	s2 =	sld [smem:$0x3FFC];
	_ =	sdelay $0x3  }
0x94: {  	_ =	strace s2  }
0x95: {  	s2 =	sld [smem:$0x3FFD];
	_ =	sdelay $0x3  }
0x96: {  	_ =	strace s2  }
0x97: {  	_ =	strace $0x8FFFFFFF  }
0x98: {  	s18 =	sld [smem:$0x3FDB];
	_ =	sdelay $0x1  }
0x99: {  	s19 =	simm.s32 $_scs_section_size  }
0x9a: {  	s4 =	simm.s32 $_size__tile_overlayer_lowered;
	s5 =	simm.s32 $_tile_overlayer_lowered  }
0x9b: {  	s22 =	simm.s32 $0x1BFF;
	s21 =	sshll.u32 s5, $0x1;
	s2 =	sadd.s32 s19, s18  }
0x9c: {  	s6 =	simm.s32 $0x0;
	s20 =	sshll.u32 s4, $0x1;
	s4 =	sadd.s32 s21, s2  }
0x9d: {  	[timem:s6], [sflag:s22] =	dma.local [hbm:s4], s20  }
0x9e: {  	_ =	swait.ge [sflag:s22], s20  }
0x9f: {  	s3 =	ssub.s32 $0x0, s20;
	[sflag:s22] =	ssyncset.done $0x0  }
0xa0: {  	[sflag:s22] =	ssyncadd.s32 s3;
	_ =	sdelay $0x1  }
0xa1: {  	s23 =	simm.s32 $0x1B8B  }
0xa2: {  	_ =	swait.ge [sflag:s23], $0x1  }
0xa3: {  	[sflag:s23] =	ssyncset.done $0x0  }
0xa4: {  	s25 =	simm.s32 $0x1B8E;
	s24 =	sld [smem:$0x3FFE];
	[sflag:s23] =	ssyncadd.s32 $0xFFFFFFFF  }
0xa5: {  	s26 =	simm.s32 $execute0_lowered;
	[smem:$0x3FD2] =	sst s25  }
0xa6: {  	s4 =	sshll.u32 s26, $0x1;
	_ =	strace $0x80000049;
	[dreg:$0x1] =	wrdreg $0xFFFFFFFF  }
0xa7: {  	s28 =	simm.s32 $_size_execute0_lowered;
	s2 =	sadd.s32 s2, s4;
	[dreg:$0x0] =	wrdreg $0x0  }
0xa8: {  	s4 =	sshll.u32 s28, $0x1;
	[dreg:$0x2] =	wrdreg s2  }
0xa9: {  	[dreg:$0x3] =	wrdreg s4  }
0xaa: {  	[dreg:$0x4] =	wrdreg $0xC0  }
0xab: {  	_ =	task [dreg:s6], $0x5FFFF  }
0xac: {  	[dreg:$0x1] =	wrdreg $0xFFFFFFFF  }
0xad: {  	[dreg:$0x0] =	wrdreg $0x60  }
0xae: {  	[dreg:$0x2] =	wrdreg s24  }
0xaf: {  	[dreg:$0x3] =	wrdreg $0x9  }
0xb0: {  	_ =	task.clear_ibuf [dreg:s6], $0x4FFFF;
	_ =	strace $0x90000049  }
0xb1: {  	s29 =	simm.s32 $0x9;
	_ =	strace $0x8000004B  }
0xb2: {  	_ =	swait.ge [sflag:s29], $0x1  }
0xb3: {  	[sflag:s29] =	ssyncadd.s32 $0xFFFFFFFF  }
0xb4: {  	_ =	strace $0x9000004B  }
0xb5: {  	_ =	sfence  }
0xb6: {  	s30 =	sld [smem:$0x0];
	_ =	sdelay $0x2  }
0xb7: {  	s31 =	sshll.u32 s1, $0xD;
	s1 =	sshrl.u32 s1, $0x2  }
0xb8: {  	s3 =	sand.u32 $0x4000, s31;
	s1 =	sadd.s32 s1, s30  }
0xb9: {  	s0 =	sor.u32 s3, s0;
	s1 =	sshll.u32 s1, $0x11  }
0xba: {  	s0 =	sor.u32 s1, s0  }
0xbb: {  	s0 =	sadd.s32 $0x8F2B, s0  }
0xbc: {  	[sflag:s0] =	ssyncadd.remote.s32 $0x1  }
0xbd: {  	_ =	sfence.sel $0xFFFF  }
0xbe: {  	[dreg:$0x0] =	wrdreg $0xFFFFFFFF;
	(pc) =	sbr.abs _section_cstart, $3  }
0xbf: {  	[dreg:$0x1] =	wrdreg $0xFFFFFFFF  }
0xc0: {  	_ =	task.clear_ibuf [dreg:s6], $0x2FFFF;
	_ =	strace $0x9FFFFFFF  }
0xc1: {  	(tm) =	ssettm $0x7FFFFFFF  }
tec
execute0_lowered:
.L_overlay_start_1:
0x0: {  	(tag) =	ssettag $0x1  }
0x1: {  	s4 =	rddreg [dreg:$0x0];
	s2 =	simm.s32 $0x0  }
0x2: {  	s3 =	srdreg.scid;
	s1 =	stileid.u32;
	s10 =	simm.s32 $0x880  }
0x3: {  	s11 =	simm.s32 $0x1080;
	s12 =	simm.s32 $0x1880;
	s13 =	simm.s32 $0x2080  }
0x4: {  	s14 =	simm.s32 $0x2880;
	s15 =	simm.s32 $0x3080;
	s16 =	simm.s32 $0x3880  }
0x5: {  	s17 =	simm.s32 $0x4080;
	s18 =	simm.s32 $0x4880;
	s19 =	simm.s32 $0x5080  }
0x6: {  	s20 =	simm.s32 $0x5880;
	s21 =	simm.s32 $0x6080;
	s22 =	simm.s32 $0x6880  }
0x7: {  	s23 =	simm.s32 $0x7080;
	s24 =	simm.s32 $0x7880;
	s25 =	simm.s32 $0x1  }
0x8: {  	s28 =	simm.s32 $0x0;
	[smem:$0x7FF] =	sst s2;
	s5 =	sand.u32 $0x1, s3  }
0x9: {  	s3 =	sadd.s32 $0x34400, s4;
	s6 =	sshll.u32 s1, $0x5;
	s26 =	sshll.u32 s1, $0xD  }
0xa: {  	_ =	strace $0x8000004A;
	s7 =	ssub.s32 $0x2, s5;
	s8 =	sadd.s32 s6, s4  }
.Ltmp0:
0xb: {  	s6 =	sadd.s32 s26, s4;
	s29 =	sshll.u32 s5, $0xC;
	(pc) =	sbr.rel .LBB2_1-.Ltmp0, $4  }
0xc: {  	s4 =	sshll.u32 s1, $0x1;
	s30 =	sshll.u32 s5, $0x4;
	s26 =	simm.s32 $0x2  }
0xd: {  	v2 =	vlaneseq.u32;
	s9 =	sshrl.u32 s7, $0x1;
	s6 =	sadd.s32 s29, s6;
	s31 =	sadd.s32 s30, s8  }
0xe: {  	vm0 =	vmmov $0xffff;
	v1 =	vshrl.u32 v2, $0x3;
	s8 =	simm.s32 $0x3;
	s7 =	ssub.s32 s7, s9;
	s6 =	sadd.s32 $0xA9800, s6  }
0xf: {  	v0 =	vand.u32 $0x7, v2;
	v2 =	vor.u32 $0x8, v2;
	v1 =	vmul.u32 $0x8, v1;
	s9 =	simm.s32 $0x80;
	s5 =	smax.u32 s7, $0x1;
	s7 =	sadd.s32 $0x2F400, s31  }
.LBB2_5:
0x10: {  	s28 =	sadd.s32 $0x1, s28  }
0x11: {  	p0 =	sne.s32 s28, s5  }
.Ltmp1:
0x12: {  	_ = 	snop;
	(pc) =	sbr.rel @!p0 .LBB2_6-.Ltmp1, $1  }
0x13: {  	_ =	sdelay $0x3  }
.LBB2_1:
.Ltmp2:
0x14: {  	(pc) =	sbr.rel .LBB2_2-.Ltmp2, $2  }
0x15: {  	_ =	sdelay $0x2  }
0x16: {  	s29 =	smov.u32 s7;
	s30 =	smov.u32 s6;
	s31 =	simm.s32 $0x0  }
.LBB2_4:
0x17: {  	s31 =	sadd.s32 $0x20, s31  }
0x18: {  	p0 =	sne.s32 s31, $0x500  }
.Ltmp3:
0x19: {  	_ = 	snop;
	(pc) =	sbr.rel @!p0 .LBB2_5-.Ltmp3, $2  }
0x1a: {  	_ =	sdelay $0x2  }
0x1b: {  	s30 =	sadd.s32 $0x20000, s30;
	s29 =	sadd.s32 $0x200, s29  }
.LBB2_2:
0x1c: {  	s0 =	sadd.s32 s31, s4  }
0x1d: {  	p0 =	sgt.u32 s0, $0x4E1  }
.Ltmp4:
0x1e: {  	_ = 	snop;
	(pc) =	sbr.rel @p0 .LBB2_4-.Ltmp4, $1  }
0x1f: {  	_ =	sdelay $0x3  }
0x20: {  	[tilespmem:s2], [sflag:$0x3] =	stream.linear.gather [hbm4b:s29+s2], $0x80, $0x38;
	[tilespmem:$0x8080] =	vst v63  }
0x21: {  	_ =	swait.ge [sflag:s8], $0x80  }
0x22: {  	[sflag:s8] =	ssyncset.done $0x0  }
0x23: {  	[sflag:s8] =	ssyncadd.s32 $0xFFFFFF80  }
0x24: {  	v3 =	vld [tilespmem:$0x0];
	_ =	sdelay $0x4  }
0x25: {  	v4 =	vshll.u32 v3, $0x1  }
0x26: {  	v3 =	vand.u32 $0x7, v3;
	v4 =	vand.u32 $0xFFFFFFF0, v4  }
0x27: {  	v3 =	vor.u32 v3, v4  }
0x28: {  	v4 =	vperm.xlane v3, v0;
	_ =	sdelay $0x1  }
0x29: {  	v3 =	vperm.xlane v3, v2;
	v4 =	vadd.s32 v1, v4;
	_ =	sdelay $0x1  }
0x2a: {  	v3 =	vadd.s32 v1, v3;
	_ =	sdelay $0x2  }
0x2b: {  	[tilespmem:s9], [sflag:$0x1] =	stream.indirect_vreg.gather [hbm4b:s3+s2], $0x80, v4, vm0, $0xb8;
	[tilespmem:$0x8080] =	vst v63  }
0x2c: {  	_ = 	snop  }
0x2d: {  	[tilespmem:s10], [sflag:$0x1] =	stream.indirect_vreg.gather [hbm4b:s3+s2], $0x80, v3, vm0, $0xb8;
	[tilespmem:$0x8080] =	vst v63  }
0x2e: {  	v3 =	vld [tilespmem:$0x10];
	_ =	sdelay $0x4  }
0x2f: {  	v57 =	vshll.u32 v3, $0x1  }
0x30: {  	v3 =	vand.u32 $0x7, v3;
	v4 =	vand.u32 $0xFFFFFFF0, v57  }
0x31: {  	v3 =	vor.u32 v3, v4  }
0x32: {  	v4 =	vperm.xlane v3, v0;
	_ =	sdelay $0x1  }
0x33: {  	v3 =	vperm.xlane v3, v2;
	v4 =	vadd.s32 v1, v4;
	_ =	sdelay $0x1  }
0x34: {  	v3 =	vadd.s32 v1, v3;
	_ =	sdelay $0x2  }
0x35: {  	[tilespmem:s11], [sflag:$0x1] =	stream.indirect_vreg.gather [hbm4b:s3+s2], $0x80, v4, vm0, $0xb8;
	[tilespmem:$0x8080] =	vst v63  }
0x36: {  	_ = 	snop  }
0x37: {  	[tilespmem:s12], [sflag:$0x1] =	stream.indirect_vreg.gather [hbm4b:s3+s2], $0x80, v3, vm0, $0xb8;
	[tilespmem:$0x8080] =	vst v63  }
0x38: {  	v3 =	vld [tilespmem:$0x20];
	_ =	sdelay $0x4  }
0x39: {  	v58 =	vshll.u32 v3, $0x1  }
0x3a: {  	v3 =	vand.u32 $0x7, v3;
	v4 =	vand.u32 $0xFFFFFFF0, v58  }
0x3b: {  	v3 =	vor.u32 v3, v4  }
0x3c: {  	v4 =	vperm.xlane v3, v0;
	_ =	sdelay $0x1  }
0x3d: {  	v3 =	vperm.xlane v3, v2;
	v4 =	vadd.s32 v1, v4;
	_ =	sdelay $0x1  }
0x3e: {  	v3 =	vadd.s32 v1, v3;
	_ =	sdelay $0x2  }
0x3f: {  	[tilespmem:s13], [sflag:$0x1] =	stream.indirect_vreg.gather [hbm4b:s3+s2], $0x80, v4, vm0, $0xb8;
	[tilespmem:$0x8080] =	vst v63  }
0x40: {  	_ = 	snop  }
0x41: {  	[tilespmem:s14], [sflag:$0x1] =	stream.indirect_vreg.gather [hbm4b:s3+s2], $0x80, v3, vm0, $0xb8;
	[tilespmem:$0x8080] =	vst v63  }
0x42: {  	v3 =	vld [tilespmem:$0x30];
	_ =	sdelay $0x4  }
0x43: {  	v59 =	vshll.u32 v3, $0x1  }
0x44: {  	v3 =	vand.u32 $0x7, v3;
	v4 =	vand.u32 $0xFFFFFFF0, v59  }
0x45: {  	v3 =	vor.u32 v3, v4  }
0x46: {  	v4 =	vperm.xlane v3, v0;
	_ =	sdelay $0x1  }
0x47: {  	v3 =	vperm.xlane v3, v2;
	v4 =	vadd.s32 v1, v4;
	_ =	sdelay $0x1  }
0x48: {  	v3 =	vadd.s32 v1, v3;
	_ =	sdelay $0x2  }
0x49: {  	[tilespmem:s15], [sflag:$0x1] =	stream.indirect_vreg.gather [hbm4b:s3+s2], $0x80, v4, vm0, $0xb8;
	[tilespmem:$0x8080] =	vst v63  }
0x4a: {  	_ = 	snop  }
0x4b: {  	[tilespmem:s16], [sflag:$0x1] =	stream.indirect_vreg.gather [hbm4b:s3+s2], $0x80, v3, vm0, $0xb8;
	[tilespmem:$0x8080] =	vst v63  }
0x4c: {  	v3 =	vld [tilespmem:$0x40];
	_ =	sdelay $0x4  }
0x4d: {  	v60 =	vshll.u32 v3, $0x1  }
0x4e: {  	v3 =	vand.u32 $0x7, v3;
	v4 =	vand.u32 $0xFFFFFFF0, v60  }
0x4f: {  	v3 =	vor.u32 v3, v4  }
0x50: {  	v4 =	vperm.xlane v3, v0;
	_ =	sdelay $0x1  }
0x51: {  	v3 =	vperm.xlane v3, v2;
	v4 =	vadd.s32 v1, v4;
	_ =	sdelay $0x1  }
0x52: {  	v3 =	vadd.s32 v1, v3;
	_ =	sdelay $0x2  }
0x53: {  	[tilespmem:s17], [sflag:$0x1] =	stream.indirect_vreg.gather [hbm4b:s3+s2], $0x80, v4, vm0, $0xb8;
	[tilespmem:$0x8080] =	vst v63  }
0x54: {  	_ = 	snop  }
0x55: {  	[tilespmem:s18], [sflag:$0x1] =	stream.indirect_vreg.gather [hbm4b:s3+s2], $0x80, v3, vm0, $0xb8;
	[tilespmem:$0x8080] =	vst v63  }
0x56: {  	v3 =	vld [tilespmem:$0x50];
	_ =	sdelay $0x4  }
0x57: {  	v61 =	vshll.u32 v3, $0x1  }
0x58: {  	v3 =	vand.u32 $0x7, v3;
	v4 =	vand.u32 $0xFFFFFFF0, v61  }
0x59: {  	v3 =	vor.u32 v3, v4  }
0x5a: {  	v4 =	vperm.xlane v3, v0;
	_ =	sdelay $0x1  }
0x5b: {  	v3 =	vperm.xlane v3, v2;
	v4 =	vadd.s32 v1, v4;
	_ =	sdelay $0x1  }
0x5c: {  	v3 =	vadd.s32 v1, v3;
	_ =	sdelay $0x2  }
0x5d: {  	[tilespmem:s19], [sflag:$0x1] =	stream.indirect_vreg.gather [hbm4b:s3+s2], $0x80, v4, vm0, $0xb8;
	[tilespmem:$0x8080] =	vst v63  }
0x5e: {  	_ = 	snop  }
0x5f: {  	[tilespmem:s20], [sflag:$0x1] =	stream.indirect_vreg.gather [hbm4b:s3+s2], $0x80, v3, vm0, $0xb8;
	[tilespmem:$0x8080] =	vst v63  }
0x60: {  	v3 =	vld [tilespmem:$0x60];
	_ =	sdelay $0x4  }
0x61: {  	v62 =	vshll.u32 v3, $0x1  }
0x62: {  	v3 =	vand.u32 $0x7, v3;
	v4 =	vand.u32 $0xFFFFFFF0, v62  }
0x63: {  	v3 =	vor.u32 v3, v4  }
0x64: {  	v4 =	vperm.xlane v3, v0;
	_ =	sdelay $0x1  }
0x65: {  	v3 =	vperm.xlane v3, v2;
	v4 =	vadd.s32 v1, v4;
	_ =	sdelay $0x1  }
0x66: {  	v3 =	vadd.s32 v1, v3;
	_ =	sdelay $0x2  }
0x67: {  	[tilespmem:s21], [sflag:$0x1] =	stream.indirect_vreg.gather [hbm4b:s3+s2], $0x80, v4, vm0, $0xb8;
	[tilespmem:$0x8080] =	vst v63  }
0x68: {  	_ = 	snop  }
0x69: {  	[tilespmem:s22], [sflag:$0x1] =	stream.indirect_vreg.gather [hbm4b:s3+s2], $0x80, v3, vm0, $0xb8;
	[tilespmem:$0x8080] =	vst v63  }
0x6a: {  	v3 =	vld [tilespmem:$0x70];
	_ =	sdelay $0x4  }
0x6b: {  	v63 =	vshll.u32 v3, $0x1  }
0x6c: {  	v3 =	vand.u32 $0x7, v3;
	v4 =	vand.u32 $0xFFFFFFF0, v63  }
0x6d: {  	v3 =	vor.u32 v3, v4  }
0x6e: {  	v4 =	vperm.xlane v3, v0;
	_ =	sdelay $0x1  }
0x6f: {  	v3 =	vperm.xlane v3, v2;
	v4 =	vadd.s32 v1, v4;
	_ =	sdelay $0x1  }
0x70: {  	v3 =	vadd.s32 v1, v3;
	_ =	sdelay $0x2  }
0x71: {  	[tilespmem:s23], [sflag:$0x1] =	stream.indirect_vreg.gather [hbm4b:s3+s2], $0x80, v4, vm0, $0xb8;
	[tilespmem:$0x8080] =	vst v63  }
0x72: {  	_ = 	snop  }
0x73: {  	[tilespmem:s24], [sflag:$0x1] =	stream.indirect_vreg.gather [hbm4b:s3+s2], $0x80, v3, vm0, $0xb8;
	[tilespmem:$0x8080] =	vst v63  }
0x74: {  	_ =	swait.ge [sflag:s25], $0x8000  }
0x75: {  	[sflag:s25] =	ssyncset.done $0x0  }
.Ltmp5:
0x76: {  	[sflag:s25] =	ssyncadd.s32 $0xFFFF8000;
	(pc) =	sbr.rel .LBB2_4-.Ltmp5, $4  }
0x77: {  	[hbm4b:s30+s2] =	stream.linear.scatter [tilespmem:s9], [sflag:$0x2], $0x8000, $0x38;
	[tilespmem:$0x8080] =	vst v63  }
0x78: {  	_ =	swait.ge [sflag:s26], $0x8000  }
0x79: {  	[sflag:s26] =	ssyncset.done $0x0  }
0x7a: {  	[sflag:s26] =	ssyncadd.s32 $0xFFFF8000  }
.LBB2_6:
0x7b: {  	_ =	sfence.sel $0x180000  }
0x7c: {  	[bflag:$0x0] =	sbarrier.arrive $0xFFFF  }
0x7d: {  	_ =	strace $0x9000004A  }
0x7e: {  	[bflag:$0x2] =	sbarrier.arrive $0xFFFF  }
0x7f: {  	p0 =	sne.s32 s1, $0x0;
	s0 =	rddreg [dreg:$0x1]  }
0x80: {  	s0 =	sadd.s32 @!p0 $0x100000, s0  }
0x81: {  	[sflag:s0] =	ssyncadd.tile.s32 @!p0 $0x1;
	_ =	shalt  }
.Lfunc_end2:
_tile_overlayer_lowered:
.L_overlay_start_2:
0x82: {  	(tag) =	ssettag $0x2  }
0x83: {  	s0 =	rddreg [dreg:$0x0];
	s2 =	stileid.u32  }
0x84: {  	s1 =	rddreg [dreg:$0x1];
	p0 =	sne.s32 s2, $0x0  }
0x85: {  	s3 =	rddreg [dreg:$0x2];
	[bflag:$0x3] =	sbarrier.arrive $0xFFFF;
	s2 =	simm.s32 @!p0 $0x1C02  }
0x86: {  	[timem:s3], [sflag:s2] =	dma.local @!p0 [hbm:s0], s1  }
0x87: {  	s0 =	simm.s32 @!p0 $0x2  }
0x88: {  	_ =	swait.ge @!p0 [sflag:s0], s1  }
0x89: {  	s1 =	ssub.s32 @!p0 $0x0, s1;
	[sflag:s0] =	ssyncset.done @!p0 $0x0  }
0x8a: {  	[sflag:s0] =	ssyncadd.s32 @!p0 s1  }
0x8b: {  	[bflag:$0x3] =	sbarrier.arrive $0xFFFF  }
0x8c: {  	_ =	shalt  }

// kernel: kernel.9.cloned.1.call-start
scs
__scs_entry_jumppad:
0x0: {  	(pc) =	sbr.rel $0x88, $3  }
0x1: {  	(tag) =	ssettag $0x0;
	lr =	simm.s32 $0x1  }
0x2: {  	[smem:$0x3F80] =	sst lr;
	_ =	strace $0xD0000000  }
0x3: {  	_ = 	snop  }
0x4: {  	_ = 	snop  }
0x5: {  	_ = 	snop  }
0x6: {  	_ = 	snop  }
0x7: {  	_ = 	snop  }
__scs_overlays_trampoline_lowered:
0x8: {  	[smem:$0x3F8F] =	sst s0  }
0x9: {  	[smem:$0x3F90] =	sst s1  }
0xa: {  	[smem:$0x3F91] =	sst s2  }
0xb: {  	[smem:$0x3F92] =	sst s3  }
0xc: {  	[smem:$0x3F93] =	sst s4  }
0xd: {  	[smem:$0x3F94] =	sst s5  }
0xe: {  	[smem:$0x3F95] =	sst s6  }
0xf: {  	[smem:$0x3F96] =	sst s7  }
0x10: {  	[smem:$0x3F97] =	sst s8  }
0x11: {  	[smem:$0x3F98] =	sst s9;
	s0 =	simm.s32 @!p0 $0x0  }
0x12: {  	s1 =	sld [smem:$0x3F7E];
	s0 =	simm.s32 @p0 $0x1  }
0x13: {  	[smem:$0x3F99] =	sst s0;
	s0 =	simm.s32 @!p1 $0x0  }
0x14: {  	s2 =	sld [smem:$0x3F7D];
	s0 =	simm.s32 @p1 $0x1  }
0x15: {  	[smem:$0x3F9A] =	sst s0;
	s0 =	simm.s32 @!p2 $0x0  }
0x16: {  	s3 =	sld [smem:$0x3FDB];
	s0 =	simm.s32 @p2 $0x1  }
0x17: {  	s4 =	simm.s32 $0x1BF5;
	[smem:$0x3F9C] =	sst s0  }
0x18: {  	s0 =	sld [smem:$0x3F7F];
	_ =	swait.ge [sflag:s4], $0x0  }
0x19: {  	s7 =	sld [smem:$0x3F80]  }
0x1a: {  	s8 =	sadd.s32 $0xFFFFE003, lr  }
0x1b: {  	s9 =	sadd.s32 $0xFFFFFEF7, lr;
	s5 =	simm.s32 $0xFFFFFFFF;
	p2 =	slt.u32 s8, $0xFFFFF086  }
0x1c: {  	p1 =	slt.u32 s9, $0xF7A;
	s5 =	simm.s32 @!p2 $0x0  }
0x1d: {  	s5 =	simm.s32 @p1 $0x1;
	p0 =	seq.s32 s7, s2  }
0x1e: {  	s7 =	smul.u32 @!p0 $0xF7A, s2;
	p2 =	seq.s32 @!p0 s5, $0x0  }
0x1f: {  	s9 =	smul.u32 $0xF7A, s1;
	s8 =	simm.s32 @!p0 $0x1BF5;
	p2 =	por !p2, p0  }
0x20: {  	[sflag:s8] =	ssyncset.s32 @!p0 $0xFFFFF086;
	s6 =	sadd.s32 @!p0 s3, s7;
	s7 =	simm.s32 @!p0 $0x108  }
0x21: {  	s3 =	sadd.s32 s3, s9;
	s6 =	sadd.s32 @!p0 $0x88, s6;
	s7 =	simm.s32 @p2 $0x1082  }
0x22: {  	[simem:s7], [sflag:s8] =	dma.local @!p0 [hbm:s6], $0xF7A  }
0x23: {  	s9 =	sor.u32 $0xD0000000, s2;
	s6 =	simm.s32 $0x108;
	_ =	swait.ge @!p0 [sflag:s8], $0x0  }
0x24: {  	s3 =	sadd.s32 $0x88, s3;
	s6 =	simm.s32 @!p1 $0x1082;
	[sflag:s4] =	ssyncset.s32 $0xFFFFF086  }
0x25: {  	[simem:s6], [sflag:s4] =	dma.local [hbm:s3], $0xF7A  }
0x26: {  	[smem:$0x3F80] =	sst s1;
	(tag) =	ssettag s2;
	_ =	strace s9  }
0x27: {  	s1 =	sld [smem:$0x3F90]  }
0x28: {  	s2 =	sld [smem:$0x3F91]  }
0x29: {  	s4 =	sld [smem:$0x3F93]  }
0x2a: {  	p0 =	seq.s32 s5, $0x0;
	s5 =	sld [smem:$0x3F94]  }
0x2b: {  	s6 =	sld [smem:$0x3F95]  }
0x2c: {  	s7 =	sld [smem:$0x3F96]  }
0x2d: {  	s3 =	simm.s32 $0x108;
	s8 =	sld [smem:$0x3F97]  }
0x2e: {  	s3 =	simm.s32 @!p0 $0x1082;
	s9 =	sld [smem:$0x3F98]  }
0x2f: {  	lr =	sadd.s32 s0, s3;
	s0 =	sld [smem:$0x3F8F]  }
0x30: {  	s3 =	sld [smem:$0x3F92]  }
0x31: {  	[smem:$0x3F9B] =	sst s10  }
0x32: {  	s10 =	sld [smem:$0x3F99];
	_ =	sdelay $0x3  }
0x33: {  	p0 =	seq.s32 s10, $0x1;
	s10 =	sld [smem:$0x3F9B];
	_ =	sdelay $0x3  }
0x34: {  	[smem:$0x3F9B] =	sst s10  }
0x35: {  	s10 =	sld [smem:$0x3F9A];
	_ =	sdelay $0x3  }
0x36: {  	p1 =	seq.s32 s10, $0x1;
	s10 =	sld [smem:$0x3F9B];
	_ =	sdelay $0x3  }
0x37: {  	[smem:$0x3F9B] =	sst s10  }
0x38: {  	s10 =	sld [smem:$0x3F9C]  }
0x39: {  	_ = 	snop;
	(pc) =	sbr.ind lr, $3  }
0x3a: {  	_ = 	snop  }
0x3b: {  	_ = 	snop  }
0x3c: {  	p2 =	seq.s32 s10, $0x1;
	s10 =	sld [smem:$0x3F9B]  }
0x3d: {  	_ =	shalt  }
0x3e: {  	_ =	shalt  }
0x3f: {  	_ =	shalt  }
0x40: {  	_ =	shalt  }
0x41: {  	_ =	shalt  }
0x42: {  	_ =	shalt  }
0x43: {  	_ =	shalt  }
0x44: {  	_ =	shalt  }
0x45: {  	_ =	shalt  }
0x46: {  	_ =	shalt  }
0x47: {  	_ =	shalt  }
0x48: {  	_ =	shalt  }
0x49: {  	_ =	shalt  }
0x4a: {  	_ =	shalt  }
0x4b: {  	_ =	shalt  }
0x4c: {  	_ =	shalt  }
0x4d: {  	_ =	shalt  }
0x4e: {  	_ =	shalt  }
0x4f: {  	_ =	shalt  }
0x50: {  	_ =	shalt  }
0x51: {  	_ =	shalt  }
0x52: {  	_ =	shalt  }
0x53: {  	_ =	shalt  }
0x54: {  	_ =	shalt  }
0x55: {  	_ =	shalt  }
0x56: {  	_ =	shalt  }
0x57: {  	_ =	shalt  }
0x58: {  	_ =	shalt  }
0x59: {  	_ =	shalt  }
0x5a: {  	_ =	shalt  }
0x5b: {  	_ =	shalt  }
0x5c: {  	_ =	shalt  }
0x5d: {  	_ =	shalt  }
0x5e: {  	_ =	shalt  }
0x5f: {  	_ =	shalt  }
0x60: {  	_ =	shalt  }
0x61: {  	_ =	shalt  }
0x62: {  	_ =	shalt  }
0x63: {  	_ =	shalt  }
0x64: {  	_ =	shalt  }
0x65: {  	_ =	shalt  }
0x66: {  	_ =	shalt  }
0x67: {  	_ =	shalt  }
0x68: {  	_ =	shalt  }
0x69: {  	_ =	shalt  }
0x6a: {  	_ =	shalt  }
0x6b: {  	_ =	shalt  }
0x6c: {  	_ =	shalt  }
0x6d: {  	_ =	shalt  }
0x6e: {  	_ =	shalt  }
0x6f: {  	_ =	shalt  }
0x70: {  	_ =	shalt  }
0x71: {  	_ =	shalt  }
0x72: {  	_ =	shalt  }
0x73: {  	_ =	shalt  }
0x74: {  	_ =	shalt  }
0x75: {  	_ =	shalt  }
0x76: {  	_ =	shalt  }
0x77: {  	_ =	shalt  }
0x78: {  	_ =	shalt  }
0x79: {  	_ =	shalt  }
0x7a: {  	_ =	shalt  }
0x7b: {  	_ =	shalt  }
0x7c: {  	_ =	shalt  }
0x7d: {  	_ =	shalt  }
0x7e: {  	_ =	shalt  }
0x7f: {  	_ =	shalt  }
0x80: {  	_ =	shalt  }
0x81: {  	_ =	shalt  }
0x82: {  	_ =	shalt  }
0x83: {  	_ =	shalt  }
0x84: {  	_ =	shalt  }
0x85: {  	_ =	shalt  }
0x86: {  	_ =	shalt  }
0x87: {  	_ =	shalt  }
.Lfunc_end0:
.L_simem_size_0:
called_computation_lowered:
.L_overlay_start_0:
0x88: {  	s2 =	sld [smem:$0x3FD9]  }
0x89: {  	s3 =	sld [smem:$0x3FFE];
	_ =	sdelay $0x1  }
0x8a: {  	s1 =	srdreg.scid  }
0x8b: {  	s0 =	sand.u32 $0x1, s1  }
0x8c: {  	s16 =	sshll.u32 s0, $0xA;
	s2 =	sadd.s32 s3, s2  }
0x8d: {  	s2 =	sadd.s32 s2, s16  }
0x8e: {  	[smem:$0x3FA7] =	sst s2  }
0x8f: {  	_ = 	snop  }
0x90: {  	(tm) =	ssettm $0x1  }
0x91: {  	s17 =	sld [smem:$0x3FFB];
	_ =	sdelay $0x3  }
0x92: {  	_ =	strace s17  }
0x93: {  	s2 =	sld [smem:$0x3FFC];
	_ =	sdelay $0x3  }
0x94: {  	_ =	strace s2  }
0x95: {  	s2 =	sld [smem:$0x3FFD];
	_ =	sdelay $0x3  }
0x96: {  	_ =	strace s2  }
0x97: {  	_ =	strace $0x8FFFFFFF  }
0x98: {  	s18 =	sld [smem:$0x3FDB];
	_ =	sdelay $0x1  }
0x99: {  	s19 =	simm.s32 $_scs_section_size  }
0x9a: {  	s4 =	simm.s32 $_size__tile_overlayer_lowered;
	s5 =	simm.s32 $_tile_overlayer_lowered  }
0x9b: {  	s22 =	simm.s32 $0x1BFF;
	s21 =	sshll.u32 s5, $0x1;
	s2 =	sadd.s32 s19, s18  }
0x9c: {  	s6 =	simm.s32 $0x0;
	s20 =	sshll.u32 s4, $0x1;
	s4 =	sadd.s32 s21, s2  }
0x9d: {  	[timem:s6], [sflag:s22] =	dma.local [hbm:s4], s20  }
0x9e: {  	_ =	swait.ge [sflag:s22], s20  }
0x9f: {  	s3 =	ssub.s32 $0x0, s20;
	[sflag:s22] =	ssyncset.done $0x0  }
0xa0: {  	[sflag:s22] =	ssyncadd.s32 s3;
	_ =	sdelay $0x1  }
0xa1: {  	s23 =	simm.s32 $0x1B8B  }
0xa2: {  	_ =	swait.ge [sflag:s23], $0x1  }
0xa3: {  	[sflag:s23] =	ssyncset.done $0x0  }
0xa4: {  	s25 =	simm.s32 $0x1B8E;
	s24 =	sld [smem:$0x3FFE];
	[sflag:s23] =	ssyncadd.s32 $0xFFFFFFFF  }
0xa5: {  	s26 =	simm.s32 $execute0_lowered;
	[smem:$0x3FD2] =	sst s25  }
0xa6: {  	s4 =	sshll.u32 s26, $0x1;
	_ =	strace $0x80000046;
	[dreg:$0x1] =	wrdreg $0xFFFFFFFF  }
0xa7: {  	s28 =	simm.s32 $_size_execute0_lowered;
	s2 =	sadd.s32 s2, s4;
	[dreg:$0x0] =	wrdreg $0x0  }
0xa8: {  	s4 =	sshll.u32 s28, $0x1;
	[dreg:$0x2] =	wrdreg s2  }
0xa9: {  	[dreg:$0x3] =	wrdreg s4  }
0xaa: {  	[dreg:$0x4] =	wrdreg $0xC0  }
0xab: {  	_ =	task [dreg:s6], $0x5FFFF  }
0xac: {  	[dreg:$0x1] =	wrdreg $0xFFFFFFFF  }
0xad: {  	[dreg:$0x0] =	wrdreg $0x60  }
0xae: {  	[dreg:$0x2] =	wrdreg s24  }
0xaf: {  	[dreg:$0x3] =	wrdreg $0x9  }
0xb0: {  	_ =	task.clear_ibuf [dreg:s6], $0x4FFFF;
	_ =	strace $0x90000046  }
0xb1: {  	s29 =	simm.s32 $0x9;
	_ =	strace $0x80000048  }
0xb2: {  	_ =	swait.ge [sflag:s29], $0x1  }
0xb3: {  	[sflag:s29] =	ssyncadd.s32 $0xFFFFFFFF  }
0xb4: {  	_ =	strace $0x90000048  }
0xb5: {  	_ =	sfence  }
0xb6: {  	s30 =	sld [smem:$0x0];
	_ =	sdelay $0x2  }
0xb7: {  	s31 =	sshll.u32 s1, $0xD;
	s1 =	sshrl.u32 s1, $0x2  }
0xb8: {  	s3 =	sand.u32 $0x4000, s31;
	s1 =	sadd.s32 s1, s30  }
0xb9: {  	s0 =	sor.u32 s3, s0;
	s1 =	sshll.u32 s1, $0x11  }
0xba: {  	s0 =	sor.u32 s1, s0  }
0xbb: {  	s0 =	sadd.s32 $0x8F2B, s0  }
0xbc: {  	[sflag:s0] =	ssyncadd.remote.s32 $0x1  }
0xbd: {  	_ =	sfence.sel $0xFFFF  }
0xbe: {  	[dreg:$0x0] =	wrdreg $0xFFFFFFFF;
	(pc) =	sbr.abs _section_cstart, $3  }
0xbf: {  	[dreg:$0x1] =	wrdreg $0xFFFFFFFF  }
0xc0: {  	_ =	task.clear_ibuf [dreg:s6], $0x2FFFF;
	_ =	strace $0x9FFFFFFF  }
0xc1: {  	(tm) =	ssettm $0x7FFFFFFF  }
tec
execute0_lowered:
.L_overlay_start_1:
0x0: {  	(tag) =	ssettag $0x1  }
0x1: {  	s0 =	rddreg [dreg:$0x0];
	s2 =	simm.s32 $0x0;
	s10 =	stileid.u32  }
0x2: {  	s1 =	srdreg.scid;
	s28 =	simm.s32 $0x6880;
	s29 =	simm.s32 $0x6C80  }
0x3: {  	s30 =	simm.s32 $0x7480;
	s31 =	simm.s32 $0x7880;
	s11 =	simm.s32 $0x9C80  }
0x4: {  	s12 =	simm.s32 $0xA480;
	s13 =	simm.s32 $0xA880;
	s14 =	simm.s32 $0xB080  }
0x5: {  	s15 =	simm.s32 $0xB480;
	s16 =	simm.s32 $0xBC80;
	s17 =	simm.s32 $0x1  }
0x6: {  	s18 =	simm.s32 $0x2;
	s19 =	simm.s32 $0x0;
	[smem:$0x7FF] =	sst s2  }
0x7: {  	s4 =	sshll.u32 s10, $0x5;
	s5 =	smul.u32 $0x3000, s10;
	s1 =	sand.u32 $0x1, s1  }
0x8: {  	s3 =	sadd.s32 $0x34400, s0;
	_ =	strace $0x80000047;
	s6 =	sadd.s32 s4, s0  }
0x9: {  	s21 =	ssub.s32 $0x2, s1;
	s8 =	smul.u32 $0x1800, s1;
	s4 =	sshll.u32 s10, $0x1  }
0xa: {  	s1 =	sshll.u32 s1, $0x4;
	s10 =	simm.s32 $0x80;
	s7 =	sadd.s32 s5, s0  }
0xb: {  	s22 =	sshrl.u32 s21, $0x1;
	s5 =	sadd.s32 $0x34500, s0;
	s23 =	sadd.s32 s1, s6  }
0xc: {  	s1 =	simm.s32 $0x8480;
	s6 =	simm.s32 $0x8C80;
	s9 =	ssub.s32 s21, s22  }
.Ltmp0:
0xd: {  	s24 =	sadd.s32 s8, s7;
	s0 =	sadd.s32 $0x2F400, s23;
	(pc) =	sbr.rel .LBB2_1-.Ltmp0, $4  }
0xe: {  	s7 =	simm.s32 $0x9080;
	s8 =	simm.s32 $0x9880;
	s25 =	smax.u32 s9, $0x1  }
0xf: {  	v2 =	vlaneseq.u32;
	[dreg:$0x3] =	wrdreg s0;
	s26 =	sadd.s32 $0xA9800, s24;
	s9 =	simm.s32 $0x3  }
0x10: {  	vm0 =	vmmov $0xffff;
	vm1 =	vmmov $0xff;
	v1 =	vshrl.u32 v2, $0x3;
	s24 =	simm.s32 $0x5480;
	s0 =	simm.s32 $0x8080;
	[dreg:$0x2] =	wrdreg s25  }
0x11: {  	v0 =	vand.u32 $0x7, v2;
	v2 =	vor.u32 $0x8, v2;
	v1 =	vmul.u32 $0x8, v1;
	[dreg:$0x4] =	wrdreg s26;
	s25 =	simm.s32 $0x5C80;
	s26 =	simm.s32 $0x6080  }
.LBB2_5:
0x12: {  	s19 =	sadd.s32 $0x1, s19;
	s20 =	rddreg [dreg:$0x2]  }
0x13: {  	p0 =	sne.s32 s19, s20  }
.Ltmp1:
0x14: {  	_ = 	snop;
	(pc) =	sbr.rel @!p0 .LBB2_6-.Ltmp1, $1  }
0x15: {  	_ =	sdelay $0x3  }
.LBB2_1:
.Ltmp2:
0x16: {  	(pc) =	sbr.rel .LBB2_2-.Ltmp2, $3  }
0x17: {  	_ =	sdelay $0x1  }
0x18: {  	s20 =	rddreg [dreg:$0x4]  }
0x19: {  	s21 =	rddreg [dreg:$0x3];
	s22 =	simm.s32 $0x0  }
.LBB2_4:
0x1a: {  	s22 =	sadd.s32 $0x20, s22  }
0x1b: {  	p0 =	sne.s32 s22, $0x500  }
.Ltmp3:
0x1c: {  	_ = 	snop;
	(pc) =	sbr.rel @!p0 .LBB2_5-.Ltmp3, $2  }
0x1d: {  	_ =	sdelay $0x2  }
0x1e: {  	s21 =	sadd.s32 $0x200, s21;
	s20 =	sadd.s32 $0x30000, s20  }
.LBB2_2:
0x1f: {  	s23 =	sadd.s32 s22, s4  }
0x20: {  	p0 =	sgt.u32 s23, $0x4E1  }
.Ltmp4:
0x21: {  	_ = 	snop;
	(pc) =	sbr.rel @p0 .LBB2_4-.Ltmp4, $1  }
0x22: {  	_ =	sdelay $0x3  }
0x23: {  	[tilespmem:s2], [sflag:$0x3] =	stream.linear.gather [hbm4b:s21+s2], $0x80, $0x38;
	[tilespmem:$0xC080] =	vst v63  }
0x24: {  	_ =	swait.ge [sflag:s9], $0x80  }
0x25: {  	[sflag:s9] =	ssyncset.done $0x0  }
0x26: {  	[sflag:s9] =	ssyncadd.s32 $0xFFFFFF80  }
0x27: {  	v3 =	vld [tilespmem:$0x0];
	_ =	sdelay $0x4  }
0x28: {  	v4 =	vshrl.u32 v3, $0x3  }
0x29: {  	v4 =	vmul.u32 $0x18, v4  }
0x2a: {  	v3 =	vand.u32 $0x7, v3  }
0x2b: {  	v3 =	vor.u32 v3, v4  }
0x2c: {  	v4 =	vperm.xlane v3, v0;
	_ =	sdelay $0x1  }
0x2d: {  	v4 =	vadd.s32 v1, v4;
	_ =	sdelay $0x1  }
0x2e: {  	v3 =	vperm.xlane v3, v2;
	_ =	sdelay $0x1  }
0x2f: {  	v3 =	vadd.s32 v1, v3  }
0x30: {  	[tilespmem:s10], [sflag:$0x1] =	stream.indirect_vreg.gather [hbm4b:s3+s2], $0x80, v4, vm0, $0xb8;
	[tilespmem:$0xC080] =	vst v63  }
0x31: {  	s23 =	simm.s32 $0x880  }
0x32: {  	[tilespmem:s23], [sflag:$0x1] =	stream.indirect_vreg.gather [hbm4b:s5+s2], $0x80, v4, vm1, $0xb8;
	[tilespmem:$0xC080] =	vst v63  }
0x33: {  	s23 =	simm.s32 $0xC80  }
0x34: {  	[tilespmem:s23], [sflag:$0x1] =	stream.indirect_vreg.gather [hbm4b:s3+s2], $0x80, v3, vm0, $0xb8;
	[tilespmem:$0xC080] =	vst v63  }
0x35: {  	s23 =	simm.s32 $0x1480  }
0x36: {  	[tilespmem:s23], [sflag:$0x1] =	stream.indirect_vreg.gather [hbm4b:s5+s2], $0x80, v3, vm1, $0xb8;
	[tilespmem:$0xC080] =	vst v63  }
0x37: {  	v3 =	vld [tilespmem:$0x10];
	_ =	sdelay $0x4  }
0x38: {  	v57 =	vshrl.u32 v3, $0x3  }
0x39: {  	v4 =	vmul.u32 $0x18, v57  }
0x3a: {  	v3 =	vand.u32 $0x7, v3  }
0x3b: {  	v3 =	vor.u32 v3, v4  }
0x3c: {  	v4 =	vperm.xlane v3, v0;
	_ =	sdelay $0x1  }
0x3d: {  	v4 =	vadd.s32 v1, v4;
	_ =	sdelay $0x1  }
0x3e: {  	v3 =	vperm.xlane v3, v2;
	_ =	sdelay $0x1  }
0x3f: {  	s23 =	simm.s32 $0x1880;
	v3 =	vadd.s32 v1, v3  }
0x40: {  	[tilespmem:s23], [sflag:$0x1] =	stream.indirect_vreg.gather [hbm4b:s3+s2], $0x80, v4, vm0, $0xb8;
	[tilespmem:$0xC080] =	vst v63  }
0x41: {  	s23 =	simm.s32 $0x2080  }
0x42: {  	[tilespmem:s23], [sflag:$0x1] =	stream.indirect_vreg.gather [hbm4b:s5+s2], $0x80, v4, vm1, $0xb8;
	[tilespmem:$0xC080] =	vst v63  }
0x43: {  	s23 =	simm.s32 $0x2480  }
0x44: {  	[tilespmem:s23], [sflag:$0x1] =	stream.indirect_vreg.gather [hbm4b:s3+s2], $0x80, v3, vm0, $0xb8;
	[tilespmem:$0xC080] =	vst v63  }
0x45: {  	s23 =	simm.s32 $0x2C80  }
0x46: {  	[tilespmem:s23], [sflag:$0x1] =	stream.indirect_vreg.gather [hbm4b:s5+s2], $0x80, v3, vm1, $0xb8;
	[tilespmem:$0xC080] =	vst v63  }
0x47: {  	v3 =	vld [tilespmem:$0x20];
	_ =	sdelay $0x4  }
0x48: {  	v58 =	vshrl.u32 v3, $0x3  }
0x49: {  	v4 =	vmul.u32 $0x18, v58  }
0x4a: {  	v3 =	vand.u32 $0x7, v3  }
0x4b: {  	v3 =	vor.u32 v3, v4  }
0x4c: {  	v4 =	vperm.xlane v3, v0;
	_ =	sdelay $0x1  }
0x4d: {  	v4 =	vadd.s32 v1, v4;
	_ =	sdelay $0x1  }
0x4e: {  	v3 =	vperm.xlane v3, v2;
	_ =	sdelay $0x1  }
0x4f: {  	s23 =	simm.s32 $0x3080;
	v3 =	vadd.s32 v1, v3  }
0x50: {  	[tilespmem:s23], [sflag:$0x1] =	stream.indirect_vreg.gather [hbm4b:s3+s2], $0x80, v4, vm0, $0xb8;
	[tilespmem:$0xC080] =	vst v63  }
0x51: {  	s23 =	simm.s32 $0x3880  }
0x52: {  	[tilespmem:s23], [sflag:$0x1] =	stream.indirect_vreg.gather [hbm4b:s5+s2], $0x80, v4, vm1, $0xb8;
	[tilespmem:$0xC080] =	vst v63  }
0x53: {  	s23 =	simm.s32 $0x3C80  }
0x54: {  	[tilespmem:s23], [sflag:$0x1] =	stream.indirect_vreg.gather [hbm4b:s3+s2], $0x80, v3, vm0, $0xb8;
	[tilespmem:$0xC080] =	vst v63  }
0x55: {  	s23 =	simm.s32 $0x4480  }
0x56: {  	[tilespmem:s23], [sflag:$0x1] =	stream.indirect_vreg.gather [hbm4b:s5+s2], $0x80, v3, vm1, $0xb8;
	[tilespmem:$0xC080] =	vst v63  }
0x57: {  	v3 =	vld [tilespmem:$0x30];
	_ =	sdelay $0x4  }
0x58: {  	v59 =	vshrl.u32 v3, $0x3  }
0x59: {  	v4 =	vmul.u32 $0x18, v59  }
0x5a: {  	v3 =	vand.u32 $0x7, v3  }
0x5b: {  	v3 =	vor.u32 v3, v4  }
0x5c: {  	v4 =	vperm.xlane v3, v0;
	_ =	sdelay $0x1  }
0x5d: {  	v4 =	vadd.s32 v1, v4;
	_ =	sdelay $0x1  }
0x5e: {  	v3 =	vperm.xlane v3, v2;
	_ =	sdelay $0x1  }
0x5f: {  	s23 =	simm.s32 $0x4880;
	v3 =	vadd.s32 v1, v3  }
0x60: {  	[tilespmem:s23], [sflag:$0x1] =	stream.indirect_vreg.gather [hbm4b:s3+s2], $0x80, v4, vm0, $0xb8;
	[tilespmem:$0xC080] =	vst v63  }
0x61: {  	s23 =	simm.s32 $0x5080  }
0x62: {  	[tilespmem:s23], [sflag:$0x1] =	stream.indirect_vreg.gather [hbm4b:s5+s2], $0x80, v4, vm1, $0xb8;
	[tilespmem:$0xC080] =	vst v63  }
0x63: {  	_ = 	snop  }
0x64: {  	[tilespmem:s24], [sflag:$0x1] =	stream.indirect_vreg.gather [hbm4b:s3+s2], $0x80, v3, vm0, $0xb8;
	[tilespmem:$0xC080] =	vst v63  }
0x65: {  	_ = 	snop  }
0x66: {  	[tilespmem:s25], [sflag:$0x1] =	stream.indirect_vreg.gather [hbm4b:s5+s2], $0x80, v3, vm1, $0xb8;
	[tilespmem:$0xC080] =	vst v63  }
0x67: {  	v3 =	vld [tilespmem:$0x40];
	_ =	sdelay $0x4  }
0x68: {  	v60 =	vshrl.u32 v3, $0x3  }
0x69: {  	v4 =	vmul.u32 $0x18, v60  }
0x6a: {  	v3 =	vand.u32 $0x7, v3  }
0x6b: {  	v3 =	vor.u32 v3, v4  }
0x6c: {  	v4 =	vperm.xlane v3, v0;
	_ =	sdelay $0x1  }
0x6d: {  	v4 =	vadd.s32 v1, v4;
	_ =	sdelay $0x1  }
0x6e: {  	v3 =	vperm.xlane v3, v2;
	_ =	sdelay $0x1  }
0x6f: {  	v3 =	vadd.s32 v1, v3  }
0x70: {  	[tilespmem:s26], [sflag:$0x1] =	stream.indirect_vreg.gather [hbm4b:s3+s2], $0x80, v4, vm0, $0xb8;
	[tilespmem:$0xC080] =	vst v63  }
0x71: {  	_ = 	snop  }
0x72: {  	[tilespmem:s28], [sflag:$0x1] =	stream.indirect_vreg.gather [hbm4b:s5+s2], $0x80, v4, vm1, $0xb8;
	[tilespmem:$0xC080] =	vst v63  }
0x73: {  	_ = 	snop  }
0x74: {  	[tilespmem:s29], [sflag:$0x1] =	stream.indirect_vreg.gather [hbm4b:s3+s2], $0x80, v3, vm0, $0xb8;
	[tilespmem:$0xC080] =	vst v63  }
0x75: {  	_ = 	snop  }
0x76: {  	[tilespmem:s30], [sflag:$0x1] =	stream.indirect_vreg.gather [hbm4b:s5+s2], $0x80, v3, vm1, $0xb8;
	[tilespmem:$0xC080] =	vst v63  }
0x77: {  	v3 =	vld [tilespmem:$0x50];
	_ =	sdelay $0x4  }
0x78: {  	v61 =	vshrl.u32 v3, $0x3  }
0x79: {  	v4 =	vmul.u32 $0x18, v61  }
0x7a: {  	v3 =	vand.u32 $0x7, v3  }
0x7b: {  	v3 =	vor.u32 v3, v4  }
0x7c: {  	v4 =	vperm.xlane v3, v0;
	_ =	sdelay $0x1  }
0x7d: {  	v4 =	vadd.s32 v1, v4;
	_ =	sdelay $0x1  }
0x7e: {  	v3 =	vperm.xlane v3, v2;
	_ =	sdelay $0x1  }
0x7f: {  	v3 =	vadd.s32 v1, v3  }
0x80: {  	[tilespmem:s31], [sflag:$0x1] =	stream.indirect_vreg.gather [hbm4b:s3+s2], $0x80, v4, vm0, $0xb8;
	[tilespmem:$0xC080] =	vst v63  }
0x81: {  	_ = 	snop  }
0x82: {  	[tilespmem:s0], [sflag:$0x1] =	stream.indirect_vreg.gather [hbm4b:s5+s2], $0x80, v4, vm1, $0xb8;
	[tilespmem:$0xC080] =	vst v63  }
0x83: {  	_ = 	snop  }
0x84: {  	[tilespmem:s1], [sflag:$0x1] =	stream.indirect_vreg.gather [hbm4b:s3+s2], $0x80, v3, vm0, $0xb8;
	[tilespmem:$0xC080] =	vst v63  }
0x85: {  	_ = 	snop  }
0x86: {  	[tilespmem:s6], [sflag:$0x1] =	stream.indirect_vreg.gather [hbm4b:s5+s2], $0x80, v3, vm1, $0xb8;
	[tilespmem:$0xC080] =	vst v63  }
0x87: {  	v3 =	vld [tilespmem:$0x60];
	_ =	sdelay $0x4  }
0x88: {  	v62 =	vshrl.u32 v3, $0x3  }
0x89: {  	v4 =	vmul.u32 $0x18, v62  }
0x8a: {  	v3 =	vand.u32 $0x7, v3  }
0x8b: {  	v3 =	vor.u32 v3, v4  }
0x8c: {  	v4 =	vperm.xlane v3, v0;
	_ =	sdelay $0x1  }
0x8d: {  	v4 =	vadd.s32 v1, v4;
	_ =	sdelay $0x1  }
0x8e: {  	v3 =	vperm.xlane v3, v2;
	_ =	sdelay $0x1  }
0x8f: {  	v3 =	vadd.s32 v1, v3  }
0x90: {  	[tilespmem:s7], [sflag:$0x1] =	stream.indirect_vreg.gather [hbm4b:s3+s2], $0x80, v4, vm0, $0xb8;
	[tilespmem:$0xC080] =	vst v63  }
0x91: {  	_ = 	snop  }
0x92: {  	[tilespmem:s8], [sflag:$0x1] =	stream.indirect_vreg.gather [hbm4b:s5+s2], $0x80, v4, vm1, $0xb8;
	[tilespmem:$0xC080] =	vst v63  }
0x93: {  	_ = 	snop  }
0x94: {  	[tilespmem:s11], [sflag:$0x1] =	stream.indirect_vreg.gather [hbm4b:s3+s2], $0x80, v3, vm0, $0xb8;
	[tilespmem:$0xC080] =	vst v63  }
0x95: {  	_ = 	snop  }
0x96: {  	[tilespmem:s12], [sflag:$0x1] =	stream.indirect_vreg.gather [hbm4b:s5+s2], $0x80, v3, vm1, $0xb8;
	[tilespmem:$0xC080] =	vst v63  }
0x97: {  	v3 =	vld [tilespmem:$0x70];
	_ =	sdelay $0x4  }
0x98: {  	v63 =	vshrl.u32 v3, $0x3  }
0x99: {  	v4 =	vmul.u32 $0x18, v63  }
0x9a: {  	v3 =	vand.u32 $0x7, v3  }
0x9b: {  	v3 =	vor.u32 v3, v4  }
0x9c: {  	v4 =	vperm.xlane v3, v0;
	_ =	sdelay $0x1  }
0x9d: {  	v4 =	vadd.s32 v1, v4;
	_ =	sdelay $0x1  }
0x9e: {  	v3 =	vperm.xlane v3, v2;
	_ =	sdelay $0x1  }
0x9f: {  	v3 =	vadd.s32 v1, v3  }
0xa0: {  	[tilespmem:s13], [sflag:$0x1] =	stream.indirect_vreg.gather [hbm4b:s3+s2], $0x80, v4, vm0, $0xb8;
	[tilespmem:$0xC080] =	vst v63  }
0xa1: {  	_ = 	snop  }
0xa2: {  	[tilespmem:s14], [sflag:$0x1] =	stream.indirect_vreg.gather [hbm4b:s5+s2], $0x80, v4, vm1, $0xb8;
	[tilespmem:$0xC080] =	vst v63  }
0xa3: {  	_ = 	snop  }
0xa4: {  	[tilespmem:s15], [sflag:$0x1] =	stream.indirect_vreg.gather [hbm4b:s3+s2], $0x80, v3, vm0, $0xb8;
	[tilespmem:$0xC080] =	vst v63  }
0xa5: {  	_ = 	snop  }
0xa6: {  	[tilespmem:s16], [sflag:$0x1] =	stream.indirect_vreg.gather [hbm4b:s5+s2], $0x80, v3, vm1, $0xb8;
	[tilespmem:$0xC080] =	vst v63  }
0xa7: {  	_ =	swait.ge [sflag:s17], $0xC000  }
0xa8: {  	[sflag:s17] =	ssyncset.done $0x0  }
.Ltmp5:
0xa9: {  	[sflag:s17] =	ssyncadd.s32 $0xFFFF4000;
	(pc) =	sbr.rel .LBB2_4-.Ltmp5, $4  }
0xaa: {  	[hbm4b:s20+s2] =	stream.linear.scatter [tilespmem:s10], [sflag:$0x2], $0xC000, $0x38;
	[tilespmem:$0xC080] =	vst v63  }
0xab: {  	_ =	swait.ge [sflag:s18], $0xC000  }
0xac: {  	[sflag:s18] =	ssyncset.done $0x0  }
0xad: {  	[sflag:s18] =	ssyncadd.s32 $0xFFFF4000  }
.LBB2_6:
0xae: {  	_ =	sfence.sel $0x180000  }
0xaf: {  	[bflag:$0x0] =	sbarrier.arrive $0xFFFF  }
0xb0: {  	_ =	strace $0x90000047  }
0xb1: {  	s0 =	stileid.u32;
	[bflag:$0x2] =	sbarrier.arrive $0xFFFF  }
0xb2: {  	p0 =	sne.s32 s0, $0x0;
	s0 =	rddreg [dreg:$0x1]  }
0xb3: {  	s0 =	sadd.s32 @!p0 $0x100000, s0  }
0xb4: {  	[sflag:s0] =	ssyncadd.tile.s32 @!p0 $0x1;
	_ =	shalt  }
.Lfunc_end2:
_tile_overlayer_lowered:
.L_overlay_start_2:
0xb5: {  	(tag) =	ssettag $0x2  }
0xb6: {  	s0 =	rddreg [dreg:$0x0];
	s2 =	stileid.u32  }
0xb7: {  	s1 =	rddreg [dreg:$0x1];
	p0 =	sne.s32 s2, $0x0  }
0xb8: {  	s3 =	rddreg [dreg:$0x2];
	[bflag:$0x3] =	sbarrier.arrive $0xFFFF;
	s2 =	simm.s32 @!p0 $0x1C02  }
0xb9: {  	[timem:s3], [sflag:s2] =	dma.local @!p0 [hbm:s0], s1  }
0xba: {  	s0 =	simm.s32 @!p0 $0x2  }
0xbb: {  	_ =	swait.ge @!p0 [sflag:s0], s1  }
0xbc: {  	s1 =	ssub.s32 @!p0 $0x0, s1;
	[sflag:s0] =	ssyncset.done @!p0 $0x0  }
0xbd: {  	[sflag:s0] =	ssyncadd.s32 @!p0 s1  }
0xbe: {  	[bflag:$0x3] =	sbarrier.arrive $0xFFFF  }
0xbf: {  	_ =	shalt  }

</sc_bundles>
